<compile_context>
chip_gen: v7x
topology: tpu7x:2x2x1
jax: 0.10.2.dev20260603
libtpu: 0.0.44.dev20260713+nightly
codegen_flags: <defaults>
</compile_context>

<pallas_src>
import functools

import jax
import jax.numpy as jnp
from jax import lax
from jax.experimental import pallas as pl
from jax.experimental.pallas import tpu as pltpu
from jax.experimental.pallas import tpu_sc as plsc

B, L, D = 4096, 50, 64
V = 100000
NC, NS = 2, 16
NW = NC * NS
DPW = D // NW
LANES = 16
NVEC = B // LANES
UNROLL = 32


@functools.partial(
    pl.kernel,
    out_type=jax.ShapeDtypeStruct((L, D // 8, B // 128, 8, 128), jnp.float32),
    mesh=plsc.VectorSubcoreMesh(core_axis_name="c", subcore_axis_name="s"),
    compiler_params=pltpu.CompilerParams(
        use_tc_tiling_on_sc=False, needs_layout_passes=False
    ),
    scratch_types=(
        [pltpu.VMEM((V,), jnp.float32)]
        + [pltpu.VMEM((B,), jnp.int32) for _ in range(2)]
        + [pltpu.VMEM((B // 128, 128), jnp.float32) for _ in range(2)]
        + [pltpu.VMEM_SHARED((L, B), jnp.int32)]
        + [pltpu.SemaphoreType.DMA for _ in range(5)]
    ),
)
def _sc_lookup(idx_hbm, tab_hbm, out_hbm, row_v, ib0, ib1, ob0, ob1, sidx,
               rsem, is0, is1, os0, os1):
    ibufs, isems = (ib0, ib1), (is0, is1)
    obufs, osems = (ob0, ob1), (os0, os1)
    core = lax.axis_index("c")
    sid = lax.axis_index("s")
    wid = sid * NC + core

    @pl.when(sid == 0)
    def _stage_idx():
        pltpu.sync_copy(idx_hbm, sidx)

    d_first = wid * DPW
    row_h = pltpu.async_copy(tab_hbm.at[d_first], row_v, rsem)
    plsc.subcore_barrier()

    for k in range(DPW):
        d = d_first + k
        dr, dsub = d // 8, d % 8
        if k == 0:
            row_h.wait()
        else:
            pltpu.sync_copy(tab_hbm.at[d], row_v)

        pltpu.async_copy(sidx.at[0], ibufs[0], isems[0])
        pltpu.async_copy(sidx.at[1], ibufs[1], isems[1])

        def pair(p, _):
            for t in range(2):
                l = 2 * p + t
                ib, ob = ibufs[t], obufs[t]
                pltpu.make_async_copy(sidx.at[0], ib, isems[t]).wait()
                @pl.when(p > 0)
                def _drain_out(t=t, ob=ob):
                    pltpu.make_async_copy(
                        ob, out_hbm.at[0, 0, :, 0, :], osems[t]
                    ).wait()

                @plsc.parallel_loop(0, B, step=LANES, unroll=UNROLL)
                def _gather(off, ib=ib, ob=ob):
                    iv = ib[pl.ds(off, LANES)]
                    ob[off // 128, pl.ds(off % 128, LANES)] = (
                        plsc.load_gather(row_v, [iv])
                    )
                pltpu.async_copy(
                    ob, out_hbm.at[l, dr, :, dsub, :], osems[t]
                )
                @pl.when(l + 2 < L)
                def _prefetch(l=l, ib=ib, t=t):
                    pltpu.async_copy(sidx.at[l + 2], ib, isems[t])
            return _

        lax.fori_loop(0, L // 2, pair, None)
        for t in range(2):
            pltpu.make_async_copy(
                obufs[t], out_hbm.at[0, 0, :, 0, :], osems[t]
            ).wait()


def kernel(indices, table):
    idx_t = indices.T.astype(jnp.int32)
    tab_t = table.T
    out5 = _sc_lookup(idx_t, tab_t)
    return out5.transpose(2, 4, 0, 1, 3).reshape(B, L, D)

# --- scband reference (transcript-rebuilt; emitter-appended) ---
"""Pipeline reference for scband-dense-query-retrieval-78786880078016 (READ-ONLY COPY).

The authoritative reference and input builder live on the scoring server;
editing this copy changes nothing except your own understanding.
"""

import jax, jax.numpy as jnp
import numpy as np


def setup_inputs(seed: int = 0) -> dict:
    key = jax.random.key(seed)
    k_idx, k_tab = jax.random.split(key)
    indices = jax.random.randint(k_idx, (4096, 50), 0, 100000, dtype=jnp.int64)
    # nn.Embedding default init: N(0, 1)
    table = jax.random.normal(k_tab, (100000, 64), dtype=jnp.float32)
    return {"indices": indices, "table": table}


def reference(indices, table):
    # Faithful translation of nn.Embedding lookup: out[b, l, :] = table[indices[b, l], :]
    return jnp.take(table, indices, axis=0)

if __name__ == "__main__":
    import jax
    _d = setup_inputs()
    print(jax.jit(kernel)(*tuple(_d.values())))

</pallas_src>

<mosaic_0001>
#map = affine_map<(d0, d1) -> (0, 0)>
#map1 = affine_map<(d0, d1) -> (0, 0, 0, 0, 0)>
module attributes {stable_mosaic.version = 14 : i64} {
  func.func @_sc_lookup(%arg0: i32, %arg1: i32, %arg2: memref<50x4096xi32, #tpu.memory_space<hbm>>, %arg3: memref<64x100000xf32, #tpu.memory_space<hbm>>, %arg4: memref<50x8x32x8x128xf32, #tpu.memory_space<hbm>>, %arg5: memref<100000xf32, #tpu.memory_space<vmem>>, %arg6: memref<4096xi32, #tpu.memory_space<vmem>>, %arg7: memref<4096xi32, #tpu.memory_space<vmem>>, %arg8: memref<32x128xf32, #tpu.memory_space<vmem>>, %arg9: memref<32x128xf32, #tpu.memory_space<vmem>>, %arg10: memref<50x4096xi32, #tpu.memory_space<vmem_shared>>, %arg11: memref<!tpu.dma_semaphore, #tpu.memory_space<semaphore_mem>>, %arg12: memref<!tpu.dma_semaphore, #tpu.memory_space<semaphore_mem>>, %arg13: memref<!tpu.dma_semaphore, #tpu.memory_space<semaphore_mem>>, %arg14: memref<!tpu.dma_semaphore, #tpu.memory_space<semaphore_mem>>, %arg15: memref<!tpu.dma_semaphore, #tpu.memory_space<semaphore_mem>>) attributes {dimension_semantics = [#tpu.dimension_semantics<core_parallel>, #tpu.dimension_semantics<subcore_parallel>], iteration_bounds = array<i64: 2, 16>, scalar_prefetch = 0 : i64, scratch_operands = 11 : i64, tpu.core_type = #tpu.core_type<sc_vector_subcore>, window_params = [{transform_indices = #map}, {transform_indices = #map}, {transform_indices = #map1}]} {
    %mul3A = arith.constant 2 : i32
    %mul3A_0 = arith.muli %arg1, %mul3A : i32
    %add3A = arith.addi %mul3A_0, %arg0 : i32
    %eq3A = arith.constant 0 : i32
    %eq3A_1 = arith.cmpi eq, %arg1, %eq3A : i32
    %convert_element_type3A = arith.extui %eq3A_1 : i1 to i32
    %cond3A = arith.constant 0 : i32
    %cond3A_2 = arith.cmpi ne, %convert_element_type3A, %cond3A : i32
    scf.if %cond3A_2 {
      "tpu.region"() ({
        %run_scoped3A = tpu.sem_alloc : memref<!tpu.dma_semaphore, #tpu.memory_space<semaphore_mem>>
        tpu.enqueue_dma source(%arg2 : memref<50x4096xi32, #tpu.memory_space<hbm>>) target(%arg10 : memref<50x4096xi32, #tpu.memory_space<vmem_shared>>) target_semaphore(%run_scoped3A : memref<!tpu.dma_semaphore, #tpu.memory_space<semaphore_mem>>)
        tpu.wait_dma2 semaphore(%run_scoped3A : memref<!tpu.dma_semaphore, #tpu.memory_space<semaphore_mem>>) src(%arg2 : memref<50x4096xi32, #tpu.memory_space<hbm>>) dst(%arg10 : memref<50x4096xi32, #tpu.memory_space<vmem_shared>>)
        tpu.yield
      }) : () -> ()
    } else {
    }
    %mul3A_3 = arith.constant 2 : i32
    %mul3A_4 = arith.muli %add3A, %mul3A_3 : i32
    %dma_start3A = arith.constant 0 : i32
    %dma_start3A_5 = tpu.memref_slice %arg3[%mul3A_4, %dma_start3A] : memref<64x100000xf32, #tpu.memory_space<hbm>> -> memref<1x100000xf32, #tpu.memory_space<hbm>>
    %dma_start3A_6 = tpu.memref_squeeze %dma_start3A_5 : memref<1x100000xf32, #tpu.memory_space<hbm>> -> memref<100000xf32, #tpu.memory_space<hbm>>
    %dma_start3A_7 = arith.constant 0 : i32
    %dma_start3A_8 = tpu.memref_slice %arg3[%mul3A_4, %dma_start3A_7] : memref<64x100000xf32, #tpu.memory_space<hbm>> -> memref<1x100000xf32, #tpu.memory_space<hbm>>
    %dma_start3A_9 = tpu.memref_squeeze %dma_start3A_8 : memref<1x100000xf32, #tpu.memory_space<hbm>> -> memref<100000xf32, #tpu.memory_space<hbm>>
    tpu.enqueue_dma source(%dma_start3A_9 : memref<100000xf32, #tpu.memory_space<hbm>>) target(%arg5 : memref<100000xf32, #tpu.memory_space<vmem>>) target_semaphore(%arg11 : memref<!tpu.dma_semaphore, #tpu.memory_space<semaphore_mem>>)
    %barrier3A = arith.constant 0 : index
    tpu.barrier barrier_id(%barrier3A)
    %add3A_10 = arith.constant 0 : i32
    %add3A_11 = arith.addi %mul3A_4, %add3A_10 : i32
    %jit3A = arith.constant 8 : i32
    %div3A = arith.divsi %add3A_11, %jit3A : i32
    %sign3A = arith.constant 0 : i32
    %sign3A_12 = arith.cmpi sgt, %add3A_11, %sign3A : i32
    %sign3A_13 = arith.extui %sign3A_12 : i1 to i32
    %sign3A_14 = arith.constant 0 : i32
    %sign3A_15 = arith.cmpi slt, %add3A_11, %sign3A_14 : i32
    %sign3A_16 = arith.extui %sign3A_15 : i1 to i32
    %sign3A_17 = arith.subi %sign3A_13, %sign3A_16 : i32
    %sign3A_18 = arith.constant 0 : i32
    %sign3A_19 = arith.cmpi sgt, %jit3A, %sign3A_18 : i32
    %sign3A_20 = arith.extui %sign3A_19 : i1 to i32
    %sign3A_21 = arith.constant 0 : i32
    %sign3A_22 = arith.cmpi slt, %jit3A, %sign3A_21 : i32
    %sign3A_23 = arith.extui %sign3A_22 : i1 to i32
    %sign3A_24 = arith.subi %sign3A_20, %sign3A_23 : i32
    %ne3A = arith.cmpi ne, %sign3A_17, %sign3A_24 : i32
    %rem3A = arith.remsi %add3A_11, %jit3A : i32
    %ne3A_25 = arith.constant 0 : i32
    %ne3A_26 = arith.cmpi ne, %rem3A, %ne3A_25 : i32
    %and3A = arith.andi %ne3A, %ne3A_26 : i1
    %sub3A = arith.constant 1 : i32
    %sub3A_27 = arith.subi %div3A, %sub3A : i32
    %select_n3A = arith.select %and3A, %sub3A_27, %div3A : i32
    %jit3A_28 = arith.constant 8 : i32
    %eq3A_29 = arith.constant 0 : i32
    %eq3A_30 = arith.cmpi eq, %jit3A_28, %eq3A_29 : i32
    %jit3A_31 = arith.constant 1 : i32
    %select_n3A_32 = arith.select %eq3A_30, %jit3A_31, %jit3A_28 : i32
    %rem3A_33 = arith.remsi %add3A_11, %select_n3A_32 : i32
    %ne3A_34 = arith.constant 0 : i32
    %ne3A_35 = arith.cmpi ne, %rem3A_33, %ne3A_34 : i32
    %lt3A = arith.constant 0 : i32
    %lt3A_36 = arith.cmpi slt, %rem3A_33, %lt3A : i32
    %lt3A_37 = arith.constant 0 : i32
    %lt3A_38 = arith.cmpi slt, %select_n3A_32, %lt3A_37 : i32
    %ne3A_39 = arith.xori %lt3A_36, %lt3A_38 : i1
    %and3A_40 = arith.andi %ne3A_39, %ne3A_35 : i1
    %add3A_41 = arith.addi %rem3A_33, %select_n3A_32 : i32
    %select_n3A_42 = arith.select %and3A_40, %add3A_41, %rem3A_33 : i32
    %dma_wait3A = arith.constant 0 : i32
    %dma_wait3A_43 = tpu.memref_slice %arg3[%mul3A_4, %dma_wait3A] : memref<64x100000xf32, #tpu.memory_space<hbm>> -> memref<1x100000xf32, #tpu.memory_space<hbm>>
    %dma_wait3A_44 = tpu.memref_squeeze %dma_wait3A_43 : memref<1x100000xf32, #tpu.memory_space<hbm>> -> memref<100000xf32, #tpu.memory_space<hbm>>
    %dma_wait3A_45 = arith.constant 0 : i32
    %dma_wait3A_46 = tpu.memref_slice %arg3[%mul3A_4, %dma_wait3A_45] : memref<64x100000xf32, #tpu.memory_space<hbm>> -> memref<1x100000xf32, #tpu.memory_space<hbm>>
    %dma_wait3A_47 = tpu.memref_squeeze %dma_wait3A_46 : memref<1x100000xf32, #tpu.memory_space<hbm>> -> memref<100000xf32, #tpu.memory_space<hbm>>
    tpu.wait_dma2 semaphore(%arg11 : memref<!tpu.dma_semaphore, #tpu.memory_space<semaphore_mem>>) src(%dma_wait3A_47 : memref<100000xf32, #tpu.memory_space<hbm>>) dst(%arg5 : memref<100000xf32, #tpu.memory_space<vmem>>)
    %dma_start3A_48 = arith.constant 0 : i32
    %dma_start3A_49 = arith.constant 0 : i32
    %dma_start3A_50 = tpu.memref_slice %arg10[%dma_start3A_48, %dma_start3A_49] : memref<50x4096xi32, #tpu.memory_space<vmem_shared>> -> memref<1x4096xi32, #tpu.memory_space<vmem_shared>>
    %dma_start3A_51 = tpu.memref_squeeze %dma_start3A_50 : memref<1x4096xi32, #tpu.memory_space<vmem_shared>> -> memref<4096xi32, #tpu.memory_space<vmem_shared>>
    %dma_start3A_52 = arith.constant 0 : i32
    %dma_start3A_53 = tpu.memref_slice %arg10[%dma_start3A_48, %dma_start3A_52] : memref<50x4096xi32, #tpu.memory_space<vmem_shared>> -> memref<1x4096xi32, #tpu.memory_space<vmem_shared>>
    %dma_start3A_54 = tpu.memref_squeeze %dma_start3A_53 : memref<1x4096xi32, #tpu.memory_space<vmem_shared>> -> memref<4096xi32, #tpu.memory_space<vmem_shared>>
    tpu.enqueue_dma source(%dma_start3A_54 : memref<4096xi32, #tpu.memory_space<vmem_shared>>) target(%arg6 : memref<4096xi32, #tpu.memory_space<vmem>>) target_semaphore(%arg12 : memref<!tpu.dma_semaphore, #tpu.memory_space<semaphore_mem>>)
    %dma_start3A_55 = arith.constant 1 : i32
    %dma_start3A_56 = arith.constant 0 : i32
    %dma_start3A_57 = tpu.memref_slice %arg10[%dma_start3A_55, %dma_start3A_56] : memref<50x4096xi32, #tpu.memory_space<vmem_shared>> -> memref<1x4096xi32, #tpu.memory_space<vmem_shared>>
    %dma_start3A_58 = tpu.memref_squeeze %dma_start3A_57 : memref<1x4096xi32, #tpu.memory_space<vmem_shared>> -> memref<4096xi32, #tpu.memory_space<vmem_shared>>
    %dma_start3A_59 = arith.constant 0 : i32
    %dma_start3A_60 = tpu.memref_slice %arg10[%dma_start3A_55, %dma_start3A_59] : memref<50x4096xi32, #tpu.memory_space<vmem_shared>> -> memref<1x4096xi32, #tpu.memory_space<vmem_shared>>
    %dma_start3A_61 = tpu.memref_squeeze %dma_start3A_60 : memref<1x4096xi32, #tpu.memory_space<vmem_shared>> -> memref<4096xi32, #tpu.memory_space<vmem_shared>>
    tpu.enqueue_dma source(%dma_start3A_61 : memref<4096xi32, #tpu.memory_space<vmem_shared>>) target(%arg7 : memref<4096xi32, #tpu.memory_space<vmem>>) target_semaphore(%arg13 : memref<!tpu.dma_semaphore, #tpu.memory_space<semaphore_mem>>)
    %scan3A = arith.constant 0 : i32
    %scan3A_62 = arith.constant 25 : i32
    %scan3A_63 = arith.addi %scan3A, %scan3A_62 : i32
    %scan3A_64 = arith.constant 1 : i32
    scf.for %scan3A_171 = %scan3A to %scan3A_63 step %scan3A_64  : i32 {
      %mul3A_172 = arith.constant 2 : i32
      %mul3A_173 = arith.muli %mul3A_172, %scan3A_171 : i32
      %add3A_174 = arith.constant 0 : i32
      %add3A_175 = arith.addi %mul3A_173, %add3A_174 : i32
      %dma_wait3A_176 = arith.constant 0 : i32
      %dma_wait3A_177 = arith.constant 0 : i32
      %dma_wait3A_178 = tpu.memref_slice %arg10[%dma_wait3A_176, %dma_wait3A_177] : memref<50x4096xi32, #tpu.memory_space<vmem_shared>> -> memref<1x4096xi32, #tpu.memory_space<vmem_shared>>
      %dma_wait3A_179 = tpu.memref_squeeze %dma_wait3A_178 : memref<1x4096xi32, #tpu.memory_space<vmem_shared>> -> memref<4096xi32, #tpu.memory_space<vmem_shared>>
      %dma_wait3A_180 = arith.constant 0 : i32
      %dma_wait3A_181 = tpu.memref_slice %arg10[%dma_wait3A_176, %dma_wait3A_180] : memref<50x4096xi32, #tpu.memory_space<vmem_shared>> -> memref<1x4096xi32, #tpu.memory_space<vmem_shared>>
      %dma_wait3A_182 = tpu.memref_squeeze %dma_wait3A_181 : memref<1x4096xi32, #tpu.memory_space<vmem_shared>> -> memref<4096xi32, #tpu.memory_space<vmem_shared>>
      tpu.wait_dma2 semaphore(%arg12 : memref<!tpu.dma_semaphore, #tpu.memory_space<semaphore_mem>>) src(%dma_wait3A_182 : memref<4096xi32, #tpu.memory_space<vmem_shared>>) dst(%arg6 : memref<4096xi32, #tpu.memory_space<vmem>>)
      %gt3A = arith.constant 0 : i32
      %gt3A_183 = arith.cmpi sgt, %scan3A_171, %gt3A : i32
      %convert_element_type3A_184 = arith.extui %gt3A_183 : i1 to i32
      %cond3A_185 = arith.constant 0 : i32
      %cond3A_186 = arith.cmpi ne, %convert_element_type3A_184, %cond3A_185 : i32
      scf.if %cond3A_186 {
        %dma_wait3A_238 = arith.constant 0 : i32
        %dma_wait3A_239 = arith.constant 0 : i32
        %dma_wait3A_240 = arith.constant 0 : i32
        %dma_wait3A_241 = arith.constant 0 : i32
        %dma_wait3A_242 = arith.constant 0 : i32
        %dma_wait3A_243 = tpu.memref_slice %arg4[%dma_wait3A_238, %dma_wait3A_239, %dma_wait3A_241, %dma_wait3A_240, %dma_wait3A_242] : memref<50x8x32x8x128xf32, #tpu.memory_space<hbm>> -> memref<1x1x32x1x128xf32, #tpu.memory_space<hbm>>
        %dma_wait3A_244 = tpu.memref_squeeze %dma_wait3A_243 : memref<1x1x32x1x128xf32, #tpu.memory_space<hbm>> -> memref<32x128xf32, #tpu.memory_space<hbm>>
        %dma_wait3A_245 = arith.constant 0 : i32
        %dma_wait3A_246 = arith.constant 0 : i32
        %dma_wait3A_247 = tpu.memref_slice %arg4[%dma_wait3A_238, %dma_wait3A_239, %dma_wait3A_245, %dma_wait3A_240, %dma_wait3A_246] : memref<50x8x32x8x128xf32, #tpu.memory_space<hbm>> -> memref<1x1x32x1x128xf32, #tpu.memory_space<hbm>>
        %dma_wait3A_248 = tpu.memref_squeeze %dma_wait3A_247 : memref<1x1x32x1x128xf32, #tpu.memory_space<hbm>> -> memref<32x128xf32, #tpu.memory_space<hbm>>
        tpu.wait_dma2 semaphore(%arg14 : memref<!tpu.dma_semaphore, #tpu.memory_space<semaphore_mem>>) src(%arg8 : memref<32x128xf32, #tpu.memory_space<vmem>>) dst(%dma_wait3A_248 : memref<32x128xf32, #tpu.memory_space<hbm>>)
      } else {
      }
      %parallel_loop3A = arith.constant 0 : i32
      %parallel_loop3A_187 = arith.constant 4096 : i32
      %parallel_loop3A_188 = arith.constant 16 : i32
      scf.for %parallel_loop3A_238 = %parallel_loop3A to %parallel_loop3A_187 step %parallel_loop3A_188  : i32 {
        %parallel_loop3A_239 = arith.index_cast %parallel_loop3A_238 : i32 to index
        %parallel_loop3A_240 = tpu.vector_load %arg6[%parallel_loop3A_239] {strides = array<i32>} : memref<4096xi32, #tpu.memory_space<vmem>>, vector<16xi32>,
        %parallel_loop3A_241 = tpu.vector_load_idx %arg5[%parallel_loop3A_240] : memref<100000xf32, #tpu.memory_space<vmem>>[vector<16xi32>], vector<16xf32>,
        %parallel_loop3A_242 = arith.constant 128 : i32
        %parallel_loop3A_243 = arith.divsi %parallel_loop3A_238, %parallel_loop3A_242 : i32
        %parallel_loop3A_244 = arith.constant 0 : i32
        %parallel_loop3A_245 = arith.cmpi sgt, %parallel_loop3A_238, %parallel_loop3A_244 : i32
        %parallel_loop3A_246 = arith.extui %parallel_loop3A_245 : i1 to i32
        %parallel_loop3A_247 = arith.constant 0 : i32
        %parallel_loop3A_248 = arith.cmpi slt, %parallel_loop3A_238, %parallel_loop3A_247 : i32
        %parallel_loop3A_249 = arith.extui %parallel_loop3A_248 : i1 to i32
        %parallel_loop3A_250 = arith.subi %parallel_loop3A_246, %parallel_loop3A_249 : i32
        %parallel_loop3A_251 = arith.constant 0 : i32
        %parallel_loop3A_252 = arith.cmpi sgt, %parallel_loop3A_242, %parallel_loop3A_251 : i32
        %parallel_loop3A_253 = arith.extui %parallel_loop3A_252 : i1 to i32
        %parallel_loop3A_254 = arith.constant 0 : i32
        %parallel_loop3A_255 = arith.cmpi slt, %parallel_loop3A_242, %parallel_loop3A_254 : i32
        %parallel_loop3A_256 = arith.extui %parallel_loop3A_255 : i1 to i32
        %parallel_loop3A_257 = arith.subi %parallel_loop3A_253, %parallel_loop3A_256 : i32
        %parallel_loop3A_258 = arith.cmpi ne, %parallel_loop3A_250, %parallel_loop3A_257 : i32
        %parallel_loop3A_259 = arith.remsi %parallel_loop3A_238, %parallel_loop3A_242 : i32
        %parallel_loop3A_260 = arith.constant 0 : i32
        %parallel_loop3A_261 = arith.cmpi ne, %parallel_loop3A_259, %parallel_loop3A_260 : i32
        %parallel_loop3A_262 = arith.andi %parallel_loop3A_258, %parallel_loop3A_261 : i1
        %parallel_loop3A_263 = arith.constant 1 : i32
        %parallel_loop3A_264 = arith.subi %parallel_loop3A_243, %parallel_loop3A_263 : i32
        %parallel_loop3A_265 = arith.select %parallel_loop3A_262, %parallel_loop3A_264, %parallel_loop3A_243 : i32
        %parallel_loop3A_266 = arith.constant 128 : i32
        %parallel_loop3A_267 = arith.constant 0 : i32
        %parallel_loop3A_268 = arith.cmpi eq, %parallel_loop3A_266, %parallel_loop3A_267 : i32
        %parallel_loop3A_269 = arith.constant 1 : i32
        %parallel_loop3A_270 = arith.select %parallel_loop3A_268, %parallel_loop3A_269, %parallel_loop3A_266 : i32
        %parallel_loop3A_271 = arith.remsi %parallel_loop3A_238, %parallel_loop3A_270 : i32
        %parallel_loop3A_272 = arith.constant 0 : i32
        %parallel_loop3A_273 = arith.cmpi ne, %parallel_loop3A_271, %parallel_loop3A_272 : i32
        %parallel_loop3A_274 = arith.constant 0 : i32
        %parallel_loop3A_275 = arith.cmpi slt, %parallel_loop3A_271, %parallel_loop3A_274 : i32
        %parallel_loop3A_276 = arith.constant 0 : i32
        %parallel_loop3A_277 = arith.cmpi slt, %parallel_loop3A_270, %parallel_loop3A_276 : i32
        %parallel_loop3A_278 = arith.xori %parallel_loop3A_275, %parallel_loop3A_277 : i1
        %parallel_loop3A_279 = arith.andi %parallel_loop3A_278, %parallel_loop3A_273 : i1
        %parallel_loop3A_280 = arith.addi %parallel_loop3A_271, %parallel_loop3A_270 : i32
        %parallel_loop3A_281 = arith.select %parallel_loop3A_279, %parallel_loop3A_280, %parallel_loop3A_271 : i32
        %parallel_loop3A_282 = arith.index_cast %parallel_loop3A_265 : i32 to index
        %parallel_loop3A_283 = arith.index_cast %parallel_loop3A_281 : i32 to index
        %parallel_loop3A_284 = tpu.vector_load %arg8[%parallel_loop3A_282, %parallel_loop3A_283] {strides = array<i32>} : memref<32x128xf32, #tpu.memory_space<vmem>>, vector<16xf32>,
        tpu.vector_store %arg8[%parallel_loop3A_282, %parallel_loop3A_283], %parallel_loop3A_241 {strides = array<i32>} : memref<32x128xf32, #tpu.memory_space<vmem>>, vector<16xf32>,
      } {sc.loop_unroll_factor = 32 : i64, sc.parallel_access}
      %dma_start3A_189 = arith.constant 0 : i32
      %dma_start3A_190 = arith.constant 0 : i32
      %dma_start3A_191 = tpu.memref_slice %arg4[%add3A_175, %select_n3A, %dma_start3A_189, %select_n3A_42, %dma_start3A_190] : memref<50x8x32x8x128xf32, #tpu.memory_space<hbm>> -> memref<1x1x32x1x128xf32, #tpu.memory_space<hbm>>
      %dma_start3A_192 = tpu.memref_squeeze %dma_start3A_191 : memref<1x1x32x1x128xf32, #tpu.memory_space<hbm>> -> memref<32x128xf32, #tpu.memory_space<hbm>>
      %dma_start3A_193 = arith.constant 0 : i32
      %dma_start3A_194 = arith.constant 0 : i32
      %dma_start3A_195 = tpu.memref_slice %arg4[%add3A_175, %select_n3A, %dma_start3A_193, %select_n3A_42, %dma_start3A_194] : memref<50x8x32x8x128xf32, #tpu.memory_space<hbm>> -> memref<1x1x32x1x128xf32, #tpu.memory_space<hbm>>
      %dma_start3A_196 = tpu.memref_squeeze %dma_start3A_195 : memref<1x1x32x1x128xf32, #tpu.memory_space<hbm>> -> memref<32x128xf32, #tpu.memory_space<hbm>>
      tpu.enqueue_dma source(%arg8 : memref<32x128xf32, #tpu.memory_space<vmem>>) target(%dma_start3A_196 : memref<32x128xf32, #tpu.memory_space<hbm>>) target_semaphore(%arg14 : memref<!tpu.dma_semaphore, #tpu.memory_space<semaphore_mem>>)
      %add3A_197 = arith.constant 2 : i32
      %add3A_198 = arith.addi %add3A_175, %add3A_197 : i32
      %lt3A_199 = arith.constant 50 : i32
      %lt3A_200 = arith.cmpi slt, %add3A_198, %lt3A_199 : i32
      %convert_element_type3A_201 = arith.extui %lt3A_200 : i1 to i32
      %cond3A_202 = arith.constant 0 : i32
      %cond3A_203 = arith.cmpi ne, %convert_element_type3A_201, %cond3A_202 : i32
      scf.if %cond3A_203 {
        %add3A_238 = arith.constant 2 : i32
        %add3A_239 = arith.addi %add3A_175, %add3A_238 : i32
        %dma_start3A_240 = arith.constant 0 : i32
        %dma_start3A_241 = tpu.memref_slice %arg10[%add3A_239, %dma_start3A_240] : memref<50x4096xi32, #tpu.memory_space<vmem_shared>> -> memref<1x4096xi32, #tpu.memory_space<vmem_shared>>
        %dma_start3A_242 = tpu.memref_squeeze %dma_start3A_241 : memref<1x4096xi32, #tpu.memory_space<vmem_shared>> -> memref<4096xi32, #tpu.memory_space<vmem_shared>>
        %dma_start3A_243 = arith.constant 0 : i32
        %dma_start3A_244 = tpu.memref_slice %arg10[%add3A_239, %dma_start3A_243] : memref<50x4096xi32, #tpu.memory_space<vmem_shared>> -> memref<1x4096xi32, #tpu.memory_space<vmem_shared>>
        %dma_start3A_245 = tpu.memref_squeeze %dma_start3A_244 : memref<1x4096xi32, #tpu.memory_space<vmem_shared>> -> memref<4096xi32, #tpu.memory_space<vmem_shared>>
        tpu.enqueue_dma source(%dma_start3A_245 : memref<4096xi32, #tpu.memory_space<vmem_shared>>) target(%arg6 : memref<4096xi32, #tpu.memory_space<vmem>>) target_semaphore(%arg12 : memref<!tpu.dma_semaphore, #tpu.memory_space<semaphore_mem>>)
      } else {
      }
      %mul3A_204 = arith.constant 2 : i32
      %mul3A_205 = arith.muli %mul3A_204, %scan3A_171 : i32
      %add3A_206 = arith.constant 1 : i32
      %add3A_207 = arith.addi %mul3A_205, %add3A_206 : i32
      %dma_wait3A_208 = arith.constant 0 : i32
      %dma_wait3A_209 = arith.constant 0 : i32
      %dma_wait3A_210 = tpu.memref_slice %arg10[%dma_wait3A_208, %dma_wait3A_209] : memref<50x4096xi32, #tpu.memory_space<vmem_shared>> -> memref<1x4096xi32, #tpu.memory_space<vmem_shared>>
      %dma_wait3A_211 = tpu.memref_squeeze %dma_wait3A_210 : memref<1x4096xi32, #tpu.memory_space<vmem_shared>> -> memref<4096xi32, #tpu.memory_space<vmem_shared>>
      %dma_wait3A_212 = arith.constant 0 : i32
      %dma_wait3A_213 = tpu.memref_slice %arg10[%dma_wait3A_208, %dma_wait3A_212] : memref<50x4096xi32, #tpu.memory_space<vmem_shared>> -> memref<1x4096xi32, #tpu.memory_space<vmem_shared>>
      %dma_wait3A_214 = tpu.memref_squeeze %dma_wait3A_213 : memref<1x4096xi32, #tpu.memory_space<vmem_shared>> -> memref<4096xi32, #tpu.memory_space<vmem_shared>>
      tpu.wait_dma2 semaphore(%arg13 : memref<!tpu.dma_semaphore, #tpu.memory_space<semaphore_mem>>) src(%dma_wait3A_214 : memref<4096xi32, #tpu.memory_space<vmem_shared>>) dst(%arg7 : memref<4096xi32, #tpu.memory_space<vmem>>)
      %gt3A_215 = arith.constant 0 : i32
      %gt3A_216 = arith.cmpi sgt, %scan3A_171, %gt3A_215 : i32
      %convert_element_type3A_217 = arith.extui %gt3A_216 : i1 to i32
      %cond3A_218 = arith.constant 0 : i32
      %cond3A_219 = arith.cmpi ne, %convert_element_type3A_217, %cond3A_218 : i32
      scf.if %cond3A_219 {
        %dma_wait3A_238 = arith.constant 0 : i32
        %dma_wait3A_239 = arith.constant 0 : i32
        %dma_wait3A_240 = arith.constant 0 : i32
        %dma_wait3A_241 = arith.constant 0 : i32
        %dma_wait3A_242 = arith.constant 0 : i32
        %dma_wait3A_243 = tpu.memref_slice %arg4[%dma_wait3A_238, %dma_wait3A_239, %dma_wait3A_241, %dma_wait3A_240, %dma_wait3A_242] : memref<50x8x32x8x128xf32, #tpu.memory_space<hbm>> -> memref<1x1x32x1x128xf32, #tpu.memory_space<hbm>>
        %dma_wait3A_244 = tpu.memref_squeeze %dma_wait3A_243 : memref<1x1x32x1x128xf32, #tpu.memory_space<hbm>> -> memref<32x128xf32, #tpu.memory_space<hbm>>
        %dma_wait3A_245 = arith.constant 0 : i32
        %dma_wait3A_246 = arith.constant 0 : i32
        %dma_wait3A_247 = tpu.memref_slice %arg4[%dma_wait3A_238, %dma_wait3A_239, %dma_wait3A_245, %dma_wait3A_240, %dma_wait3A_246] : memref<50x8x32x8x128xf32, #tpu.memory_space<hbm>> -> memref<1x1x32x1x128xf32, #tpu.memory_space<hbm>>
        %dma_wait3A_248 = tpu.memref_squeeze %dma_wait3A_247 : memref<1x1x32x1x128xf32, #tpu.memory_space<hbm>> -> memref<32x128xf32, #tpu.memory_space<hbm>>
        tpu.wait_dma2 semaphore(%arg15 : memref<!tpu.dma_semaphore, #tpu.memory_space<semaphore_mem>>) src(%arg9 : memref<32x128xf32, #tpu.memory_space<vmem>>) dst(%dma_wait3A_248 : memref<32x128xf32, #tpu.memory_space<hbm>>)
      } else {
      }
      %parallel_loop3A_220 = arith.constant 0 : i32
      %parallel_loop3A_221 = arith.constant 4096 : i32
      %parallel_loop3A_222 = arith.constant 16 : i32
      scf.for %parallel_loop3A_238 = %parallel_loop3A_220 to %parallel_loop3A_221 step %parallel_loop3A_222  : i32 {
        %parallel_loop3A_239 = arith.index_cast %parallel_loop3A_238 : i32 to index
        %parallel_loop3A_240 = tpu.vector_load %arg7[%parallel_loop3A_239] {strides = array<i32>} : memref<4096xi32, #tpu.memory_space<vmem>>, vector<16xi32>,
        %parallel_loop3A_241 = tpu.vector_load_idx %arg5[%parallel_loop3A_240] : memref<100000xf32, #tpu.memory_space<vmem>>[vector<16xi32>], vector<16xf32>,
        %parallel_loop3A_242 = arith.constant 128 : i32
        %parallel_loop3A_243 = arith.divsi %parallel_loop3A_238, %parallel_loop3A_242 : i32
        %parallel_loop3A_244 = arith.constant 0 : i32
        %parallel_loop3A_245 = arith.cmpi sgt, %parallel_loop3A_238, %parallel_loop3A_244 : i32
        %parallel_loop3A_246 = arith.extui %parallel_loop3A_245 : i1 to i32
        %parallel_loop3A_247 = arith.constant 0 : i32
        %parallel_loop3A_248 = arith.cmpi slt, %parallel_loop3A_238, %parallel_loop3A_247 : i32
        %parallel_loop3A_249 = arith.extui %parallel_loop3A_248 : i1 to i32
        %parallel_loop3A_250 = arith.subi %parallel_loop3A_246, %parallel_loop3A_249 : i32
        %parallel_loop3A_251 = arith.constant 0 : i32
        %parallel_loop3A_252 = arith.cmpi sgt, %parallel_loop3A_242, %parallel_loop3A_251 : i32
        %parallel_loop3A_253 = arith.extui %parallel_loop3A_252 : i1 to i32
        %parallel_loop3A_254 = arith.constant 0 : i32
        %parallel_loop3A_255 = arith.cmpi slt, %parallel_loop3A_242, %parallel_loop3A_254 : i32
        %parallel_loop3A_256 = arith.extui %parallel_loop3A_255 : i1 to i32
        %parallel_loop3A_257 = arith.subi %parallel_loop3A_253, %parallel_loop3A_256 : i32
        %parallel_loop3A_258 = arith.cmpi ne, %parallel_loop3A_250, %parallel_loop3A_257 : i32
        %parallel_loop3A_259 = arith.remsi %parallel_loop3A_238, %parallel_loop3A_242 : i32
        %parallel_loop3A_260 = arith.constant 0 : i32
        %parallel_loop3A_261 = arith.cmpi ne, %parallel_loop3A_259, %parallel_loop3A_260 : i32
        %parallel_loop3A_262 = arith.andi %parallel_loop3A_258, %parallel_loop3A_261 : i1
        %parallel_loop3A_263 = arith.constant 1 : i32
        %parallel_loop3A_264 = arith.subi %parallel_loop3A_243, %parallel_loop3A_263 : i32
        %parallel_loop3A_265 = arith.select %parallel_loop3A_262, %parallel_loop3A_264, %parallel_loop3A_243 : i32
        %parallel_loop3A_266 = arith.constant 128 : i32
        %parallel_loop3A_267 = arith.constant 0 : i32
        %parallel_loop3A_268 = arith.cmpi eq, %parallel_loop3A_266, %parallel_loop3A_267 : i32
        %parallel_loop3A_269 = arith.constant 1 : i32
        %parallel_loop3A_270 = arith.select %parallel_loop3A_268, %parallel_loop3A_269, %parallel_loop3A_266 : i32
        %parallel_loop3A_271 = arith.remsi %parallel_loop3A_238, %parallel_loop3A_270 : i32
        %parallel_loop3A_272 = arith.constant 0 : i32
        %parallel_loop3A_273 = arith.cmpi ne, %parallel_loop3A_271, %parallel_loop3A_272 : i32
        %parallel_loop3A_274 = arith.constant 0 : i32
        %parallel_loop3A_275 = arith.cmpi slt, %parallel_loop3A_271, %parallel_loop3A_274 : i32
        %parallel_loop3A_276 = arith.constant 0 : i32
        %parallel_loop3A_277 = arith.cmpi slt, %parallel_loop3A_270, %parallel_loop3A_276 : i32
        %parallel_loop3A_278 = arith.xori %parallel_loop3A_275, %parallel_loop3A_277 : i1
        %parallel_loop3A_279 = arith.andi %parallel_loop3A_278, %parallel_loop3A_273 : i1
        %parallel_loop3A_280 = arith.addi %parallel_loop3A_271, %parallel_loop3A_270 : i32
        %parallel_loop3A_281 = arith.select %parallel_loop3A_279, %parallel_loop3A_280, %parallel_loop3A_271 : i32
        %parallel_loop3A_282 = arith.index_cast %parallel_loop3A_265 : i32 to index
        %parallel_loop3A_283 = arith.index_cast %parallel_loop3A_281 : i32 to index
        %parallel_loop3A_284 = tpu.vector_load %arg9[%parallel_loop3A_282, %parallel_loop3A_283] {strides = array<i32>} : memref<32x128xf32, #tpu.memory_space<vmem>>, vector<16xf32>,
        tpu.vector_store %arg9[%parallel_loop3A_282, %parallel_loop3A_283], %parallel_loop3A_241 {strides = array<i32>} : memref<32x128xf32, #tpu.memory_space<vmem>>, vector<16xf32>,
      } {sc.loop_unroll_factor = 32 : i64, sc.parallel_access}
      %dma_start3A_223 = arith.constant 0 : i32
      %dma_start3A_224 = arith.constant 0 : i32
      %dma_start3A_225 = tpu.memref_slice %arg4[%add3A_207, %select_n3A, %dma_start3A_223, %select_n3A_42, %dma_start3A_224] : memref<50x8x32x8x128xf32, #tpu.memory_space<hbm>> -> memref<1x1x32x1x128xf32, #tpu.memory_space<hbm>>
      %dma_start3A_226 = tpu.memref_squeeze %dma_start3A_225 : memref<1x1x32x1x128xf32, #tpu.memory_space<hbm>> -> memref<32x128xf32, #tpu.memory_space<hbm>>
      %dma_start3A_227 = arith.constant 0 : i32
      %dma_start3A_228 = arith.constant 0 : i32
      %dma_start3A_229 = tpu.memref_slice %arg4[%add3A_207, %select_n3A, %dma_start3A_227, %select_n3A_42, %dma_start3A_228] : memref<50x8x32x8x128xf32, #tpu.memory_space<hbm>> -> memref<1x1x32x1x128xf32, #tpu.memory_space<hbm>>
      %dma_start3A_230 = tpu.memref_squeeze %dma_start3A_229 : memref<1x1x32x1x128xf32, #tpu.memory_space<hbm>> -> memref<32x128xf32, #tpu.memory_space<hbm>>
      tpu.enqueue_dma source(%arg9 : memref<32x128xf32, #tpu.memory_space<vmem>>) target(%dma_start3A_230 : memref<32x128xf32, #tpu.memory_space<hbm>>) target_semaphore(%arg15 : memref<!tpu.dma_semaphore, #tpu.memory_space<semaphore_mem>>)
      %add3A_231 = arith.constant 2 : i32
      %add3A_232 = arith.addi %add3A_207, %add3A_231 : i32
      %lt3A_233 = arith.constant 50 : i32
      %lt3A_234 = arith.cmpi slt, %add3A_232, %lt3A_233 : i32
      %convert_element_type3A_235 = arith.extui %lt3A_234 : i1 to i32
      %cond3A_236 = arith.constant 0 : i32
      %cond3A_237 = arith.cmpi ne, %convert_element_type3A_235, %cond3A_236 : i32
      scf.if %cond3A_237 {
        %add3A_238 = arith.constant 2 : i32
        %add3A_239 = arith.addi %add3A_207, %add3A_238 : i32
        %dma_start3A_240 = arith.constant 0 : i32
        %dma_start3A_241 = tpu.memref_slice %arg10[%add3A_239, %dma_start3A_240] : memref<50x4096xi32, #tpu.memory_space<vmem_shared>> -> memref<1x4096xi32, #tpu.memory_space<vmem_shared>>
        %dma_start3A_242 = tpu.memref_squeeze %dma_start3A_241 : memref<1x4096xi32, #tpu.memory_space<vmem_shared>> -> memref<4096xi32, #tpu.memory_space<vmem_shared>>
        %dma_start3A_243 = arith.constant 0 : i32
        %dma_start3A_244 = tpu.memref_slice %arg10[%add3A_239, %dma_start3A_243] : memref<50x4096xi32, #tpu.memory_space<vmem_shared>> -> memref<1x4096xi32, #tpu.memory_space<vmem_shared>>
        %dma_start3A_245 = tpu.memref_squeeze %dma_start3A_244 : memref<1x4096xi32, #tpu.memory_space<vmem_shared>> -> memref<4096xi32, #tpu.memory_space<vmem_shared>>
        tpu.enqueue_dma source(%dma_start3A_245 : memref<4096xi32, #tpu.memory_space<vmem_shared>>) target(%arg7 : memref<4096xi32, #tpu.memory_space<vmem>>) target_semaphore(%arg13 : memref<!tpu.dma_semaphore, #tpu.memory_space<semaphore_mem>>)
      } else {
      }
    }
    %scan3A_65 = arith.constant 25 : i32
    %dma_wait3A_66 = arith.constant 0 : i32
    %dma_wait3A_67 = arith.constant 0 : i32
    %dma_wait3A_68 = arith.constant 0 : i32
    %dma_wait3A_69 = arith.constant 0 : i32
    %dma_wait3A_70 = arith.constant 0 : i32
    %dma_wait3A_71 = tpu.memref_slice %arg4[%dma_wait3A_66, %dma_wait3A_67, %dma_wait3A_69, %dma_wait3A_68, %dma_wait3A_70] : memref<50x8x32x8x128xf32, #tpu.memory_space<hbm>> -> memref<1x1x32x1x128xf32, #tpu.memory_space<hbm>>
    %dma_wait3A_72 = tpu.memref_squeeze %dma_wait3A_71 : memref<1x1x32x1x128xf32, #tpu.memory_space<hbm>> -> memref<32x128xf32, #tpu.memory_space<hbm>>
    %dma_wait3A_73 = arith.constant 0 : i32
    %dma_wait3A_74 = arith.constant 0 : i32
    %dma_wait3A_75 = tpu.memref_slice %arg4[%dma_wait3A_66, %dma_wait3A_67, %dma_wait3A_73, %dma_wait3A_68, %dma_wait3A_74] : memref<50x8x32x8x128xf32, #tpu.memory_space<hbm>> -> memref<1x1x32x1x128xf32, #tpu.memory_space<hbm>>
    %dma_wait3A_76 = tpu.memref_squeeze %dma_wait3A_75 : memref<1x1x32x1x128xf32, #tpu.memory_space<hbm>> -> memref<32x128xf32, #tpu.memory_space<hbm>>
    tpu.wait_dma2 semaphore(%arg14 : memref<!tpu.dma_semaphore, #tpu.memory_space<semaphore_mem>>) src(%arg8 : memref<32x128xf32, #tpu.memory_space<vmem>>) dst(%dma_wait3A_76 : memref<32x128xf32, #tpu.memory_space<hbm>>)
    %dma_wait3A_77 = arith.constant 0 : i32
    %dma_wait3A_78 = arith.constant 0 : i32
    %dma_wait3A_79 = arith.constant 0 : i32
    %dma_wait3A_80 = arith.constant 0 : i32
    %dma_wait3A_81 = arith.constant 0 : i32
    %dma_wait3A_82 = tpu.memref_slice %arg4[%dma_wait3A_77, %dma_wait3A_78, %dma_wait3A_80, %dma_wait3A_79, %dma_wait3A_81] : memref<50x8x32x8x128xf32, #tpu.memory_space<hbm>> -> memref<1x1x32x1x128xf32, #tpu.memory_space<hbm>>
    %dma_wait3A_83 = tpu.memref_squeeze %dma_wait3A_82 : memref<1x1x32x1x128xf32, #tpu.memory_space<hbm>> -> memref<32x128xf32, #tpu.memory_space<hbm>>
    %dma_wait3A_84 = arith.constant 0 : i32
    %dma_wait3A_85 = arith.constant 0 : i32
    %dma_wait3A_86 = tpu.memref_slice %arg4[%dma_wait3A_77, %dma_wait3A_78, %dma_wait3A_84, %dma_wait3A_79, %dma_wait3A_85] : memref<50x8x32x8x128xf32, #tpu.memory_space<hbm>> -> memref<1x1x32x1x128xf32, #tpu.memory_space<hbm>>
    %dma_wait3A_87 = tpu.memref_squeeze %dma_wait3A_86 : memref<1x1x32x1x128xf32, #tpu.memory_space<hbm>> -> memref<32x128xf32, #tpu.memory_space<hbm>>
    tpu.wait_dma2 semaphore(%arg15 : memref<!tpu.dma_semaphore, #tpu.memory_space<semaphore_mem>>) src(%arg9 : memref<32x128xf32, #tpu.memory_space<vmem>>) dst(%dma_wait3A_87 : memref<32x128xf32, #tpu.memory_space<hbm>>)
    %add3A_88 = arith.constant 1 : i32
    %add3A_89 = arith.addi %mul3A_4, %add3A_88 : i32
    %jit3A_90 = arith.constant 8 : i32
    %div3A_91 = arith.divsi %add3A_89, %jit3A_90 : i32
    %sign3A_92 = arith.constant 0 : i32
    %sign3A_93 = arith.cmpi sgt, %add3A_89, %sign3A_92 : i32
    %sign3A_94 = arith.extui %sign3A_93 : i1 to i32
    %sign3A_95 = arith.constant 0 : i32
    %sign3A_96 = arith.cmpi slt, %add3A_89, %sign3A_95 : i32
    %sign3A_97 = arith.extui %sign3A_96 : i1 to i32
    %sign3A_98 = arith.subi %sign3A_94, %sign3A_97 : i32
    %sign3A_99 = arith.constant 0 : i32
    %sign3A_100 = arith.cmpi sgt, %jit3A_90, %sign3A_99 : i32
    %sign3A_101 = arith.extui %sign3A_100 : i1 to i32
    %sign3A_102 = arith.constant 0 : i32
    %sign3A_103 = arith.cmpi slt, %jit3A_90, %sign3A_102 : i32
    %sign3A_104 = arith.extui %sign3A_103 : i1 to i32
    %sign3A_105 = arith.subi %sign3A_101, %sign3A_104 : i32
    %ne3A_106 = arith.cmpi ne, %sign3A_98, %sign3A_105 : i32
    %rem3A_107 = arith.remsi %add3A_89, %jit3A_90 : i32
    %ne3A_108 = arith.constant 0 : i32
    %ne3A_109 = arith.cmpi ne, %rem3A_107, %ne3A_108 : i32
    %and3A_110 = arith.andi %ne3A_106, %ne3A_109 : i1
    %sub3A_111 = arith.constant 1 : i32
    %sub3A_112 = arith.subi %div3A_91, %sub3A_111 : i32
    %select_n3A_113 = arith.select %and3A_110, %sub3A_112, %div3A_91 : i32
    %jit3A_114 = arith.constant 8 : i32
    %eq3A_115 = arith.constant 0 : i32
    %eq3A_116 = arith.cmpi eq, %jit3A_114, %eq3A_115 : i32
    %jit3A_117 = arith.constant 1 : i32
    %select_n3A_118 = arith.select %eq3A_116, %jit3A_117, %jit3A_114 : i32
    %rem3A_119 = arith.remsi %add3A_89, %select_n3A_118 : i32
    %ne3A_120 = arith.constant 0 : i32
    %ne3A_121 = arith.cmpi ne, %rem3A_119, %ne3A_120 : i32
    %lt3A_122 = arith.constant 0 : i32
    %lt3A_123 = arith.cmpi slt, %rem3A_119, %lt3A_122 : i32
    %lt3A_124 = arith.constant 0 : i32
    %lt3A_125 = arith.cmpi slt, %select_n3A_118, %lt3A_124 : i32
    %ne3A_126 = arith.xori %lt3A_123, %lt3A_125 : i1
    %and3A_127 = arith.andi %ne3A_126, %ne3A_121 : i1
    %add3A_128 = arith.addi %rem3A_119, %select_n3A_118 : i32
    %select_n3A_129 = arith.select %and3A_127, %add3A_128, %rem3A_119 : i32
    "tpu.region"() ({
      %run_scoped3A = tpu.sem_alloc : memref<!tpu.dma_semaphore, #tpu.memory_space<semaphore_mem>>
      %dma_start3A_171 = arith.constant 0 : i32
      %dma_start3A_172 = tpu.memref_slice %arg3[%add3A_89, %dma_start3A_171] : memref<64x100000xf32, #tpu.memory_space<hbm>> -> memref<1x100000xf32, #tpu.memory_space<hbm>>
      %dma_start3A_173 = tpu.memref_squeeze %dma_start3A_172 : memref<1x100000xf32, #tpu.memory_space<hbm>> -> memref<100000xf32, #tpu.memory_space<hbm>>
      %dma_start3A_174 = arith.constant 0 : i32
      %dma_start3A_175 = tpu.memref_slice %arg3[%add3A_89, %dma_start3A_174] : memref<64x100000xf32, #tpu.memory_space<hbm>> -> memref<1x100000xf32, #tpu.memory_space<hbm>>
      %dma_start3A_176 = tpu.memref_squeeze %dma_start3A_175 : memref<1x100000xf32, #tpu.memory_space<hbm>> -> memref<100000xf32, #tpu.memory_space<hbm>>
      tpu.enqueue_dma source(%dma_start3A_176 : memref<100000xf32, #tpu.memory_space<hbm>>) target(%arg5 : memref<100000xf32, #tpu.memory_space<vmem>>) target_semaphore(%run_scoped3A : memref<!tpu.dma_semaphore, #tpu.memory_space<semaphore_mem>>)
      %dma_wait3A_177 = arith.constant 0 : i32
      %dma_wait3A_178 = tpu.memref_slice %arg3[%add3A_89, %dma_wait3A_177] : memref<64x100000xf32, #tpu.memory_space<hbm>> -> memref<1x100000xf32, #tpu.memory_space<hbm>>
      %dma_wait3A_179 = tpu.memref_squeeze %dma_wait3A_178 : memref<1x100000xf32, #tpu.memory_space<hbm>> -> memref<100000xf32, #tpu.memory_space<hbm>>
      %dma_wait3A_180 = arith.constant 0 : i32
      %dma_wait3A_181 = tpu.memref_slice %arg3[%add3A_89, %dma_wait3A_180] : memref<64x100000xf32, #tpu.memory_space<hbm>> -> memref<1x100000xf32, #tpu.memory_space<hbm>>
      %dma_wait3A_182 = tpu.memref_squeeze %dma_wait3A_181 : memref<1x100000xf32, #tpu.memory_space<hbm>> -> memref<100000xf32, #tpu.memory_space<hbm>>
      tpu.wait_dma2 semaphore(%run_scoped3A : memref<!tpu.dma_semaphore, #tpu.memory_space<semaphore_mem>>) src(%dma_wait3A_182 : memref<100000xf32, #tpu.memory_space<hbm>>) dst(%arg5 : memref<100000xf32, #tpu.memory_space<vmem>>)
      tpu.yield
    }) : () -> ()
    %dma_start3A_130 = arith.constant 0 : i32
    %dma_start3A_131 = arith.constant 0 : i32
    %dma_start3A_132 = tpu.memref_slice %arg10[%dma_start3A_130, %dma_start3A_131] : memref<50x4096xi32, #tpu.memory_space<vmem_shared>> -> memref<1x4096xi32, #tpu.memory_space<vmem_shared>>
    %dma_start3A_133 = tpu.memref_squeeze %dma_start3A_132 : memref<1x4096xi32, #tpu.memory_space<vmem_shared>> -> memref<4096xi32, #tpu.memory_space<vmem_shared>>
    %dma_start3A_134 = arith.constant 0 : i32
    %dma_start3A_135 = tpu.memref_slice %arg10[%dma_start3A_130, %dma_start3A_134] : memref<50x4096xi32, #tpu.memory_space<vmem_shared>> -> memref<1x4096xi32, #tpu.memory_space<vmem_shared>>
    %dma_start3A_136 = tpu.memref_squeeze %dma_start3A_135 : memref<1x4096xi32, #tpu.memory_space<vmem_shared>> -> memref<4096xi32, #tpu.memory_space<vmem_shared>>
    tpu.enqueue_dma source(%dma_start3A_136 : memref<4096xi32, #tpu.memory_space<vmem_shared>>) target(%arg6 : memref<4096xi32, #tpu.memory_space<vmem>>) target_semaphore(%arg12 : memref<!tpu.dma_semaphore, #tpu.memory_space<semaphore_mem>>)
    %dma_start3A_137 = arith.constant 1 : i32
    %dma_start3A_138 = arith.constant 0 : i32
    %dma_start3A_139 = tpu.memref_slice %arg10[%dma_start3A_137, %dma_start3A_138] : memref<50x4096xi32, #tpu.memory_space<vmem_shared>> -> memref<1x4096xi32, #tpu.memory_space<vmem_shared>>
    %dma_start3A_140 = tpu.memref_squeeze %dma_start3A_139 : memref<1x4096xi32, #tpu.memory_space<vmem_shared>> -> memref<4096xi32, #tpu.memory_space<vmem_shared>>
    %dma_start3A_141 = arith.constant 0 : i32
    %dma_start3A_142 = tpu.memref_slice %arg10[%dma_start3A_137, %dma_start3A_141] : memref<50x4096xi32, #tpu.memory_space<vmem_shared>> -> memref<1x4096xi32, #tpu.memory_space<vmem_shared>>
    %dma_start3A_143 = tpu.memref_squeeze %dma_start3A_142 : memref<1x4096xi32, #tpu.memory_space<vmem_shared>> -> memref<4096xi32, #tpu.memory_space<vmem_shared>>
    tpu.enqueue_dma source(%dma_start3A_143 : memref<4096xi32, #tpu.memory_space<vmem_shared>>) target(%arg7 : memref<4096xi32, #tpu.memory_space<vmem>>) target_semaphore(%arg13 : memref<!tpu.dma_semaphore, #tpu.memory_space<semaphore_mem>>)
    %scan3A_144 = arith.constant 0 : i32
    %scan3A_145 = arith.constant 25 : i32
    %scan3A_146 = arith.addi %scan3A_144, %scan3A_145 : i32
    %scan3A_147 = arith.constant 1 : i32
    scf.for %scan3A_171 = %scan3A_144 to %scan3A_146 step %scan3A_147  : i32 {
      %mul3A_172 = arith.constant 2 : i32
      %mul3A_173 = arith.muli %mul3A_172, %scan3A_171 : i32
      %add3A_174 = arith.constant 0 : i32
      %add3A_175 = arith.addi %mul3A_173, %add3A_174 : i32
      %dma_wait3A_176 = arith.constant 0 : i32
      %dma_wait3A_177 = arith.constant 0 : i32
      %dma_wait3A_178 = tpu.memref_slice %arg10[%dma_wait3A_176, %dma_wait3A_177] : memref<50x4096xi32, #tpu.memory_space<vmem_shared>> -> memref<1x4096xi32, #tpu.memory_space<vmem_shared>>
      %dma_wait3A_179 = tpu.memref_squeeze %dma_wait3A_178 : memref<1x4096xi32, #tpu.memory_space<vmem_shared>> -> memref<4096xi32, #tpu.memory_space<vmem_shared>>
      %dma_wait3A_180 = arith.constant 0 : i32
      %dma_wait3A_181 = tpu.memref_slice %arg10[%dma_wait3A_176, %dma_wait3A_180] : memref<50x4096xi32, #tpu.memory_space<vmem_shared>> -> memref<1x4096xi32, #tpu.memory_space<vmem_shared>>
      %dma_wait3A_182 = tpu.memref_squeeze %dma_wait3A_181 : memref<1x4096xi32, #tpu.memory_space<vmem_shared>> -> memref<4096xi32, #tpu.memory_space<vmem_shared>>
      tpu.wait_dma2 semaphore(%arg12 : memref<!tpu.dma_semaphore, #tpu.memory_space<semaphore_mem>>) src(%dma_wait3A_182 : memref<4096xi32, #tpu.memory_space<vmem_shared>>) dst(%arg6 : memref<4096xi32, #tpu.memory_space<vmem>>)
      %gt3A = arith.constant 0 : i32
      %gt3A_183 = arith.cmpi sgt, %scan3A_171, %gt3A : i32
      %convert_element_type3A_184 = arith.extui %gt3A_183 : i1 to i32
      %cond3A_185 = arith.constant 0 : i32
      %cond3A_186 = arith.cmpi ne, %convert_element_type3A_184, %cond3A_185 : i32
      scf.if %cond3A_186 {
        %dma_wait3A_238 = arith.constant 0 : i32
        %dma_wait3A_239 = arith.constant 0 : i32
        %dma_wait3A_240 = arith.constant 0 : i32
        %dma_wait3A_241 = arith.constant 0 : i32
        %dma_wait3A_242 = arith.constant 0 : i32
        %dma_wait3A_243 = tpu.memref_slice %arg4[%dma_wait3A_238, %dma_wait3A_239, %dma_wait3A_241, %dma_wait3A_240, %dma_wait3A_242] : memref<50x8x32x8x128xf32, #tpu.memory_space<hbm>> -> memref<1x1x32x1x128xf32, #tpu.memory_space<hbm>>
        %dma_wait3A_244 = tpu.memref_squeeze %dma_wait3A_243 : memref<1x1x32x1x128xf32, #tpu.memory_space<hbm>> -> memref<32x128xf32, #tpu.memory_space<hbm>>
        %dma_wait3A_245 = arith.constant 0 : i32
        %dma_wait3A_246 = arith.constant 0 : i32
        %dma_wait3A_247 = tpu.memref_slice %arg4[%dma_wait3A_238, %dma_wait3A_239, %dma_wait3A_245, %dma_wait3A_240, %dma_wait3A_246] : memref<50x8x32x8x128xf32, #tpu.memory_space<hbm>> -> memref<1x1x32x1x128xf32, #tpu.memory_space<hbm>>
        %dma_wait3A_248 = tpu.memref_squeeze %dma_wait3A_247 : memref<1x1x32x1x128xf32, #tpu.memory_space<hbm>> -> memref<32x128xf32, #tpu.memory_space<hbm>>
        tpu.wait_dma2 semaphore(%arg14 : memref<!tpu.dma_semaphore, #tpu.memory_space<semaphore_mem>>) src(%arg8 : memref<32x128xf32, #tpu.memory_space<vmem>>) dst(%dma_wait3A_248 : memref<32x128xf32, #tpu.memory_space<hbm>>)
      } else {
      }
      %parallel_loop3A = arith.constant 0 : i32
      %parallel_loop3A_187 = arith.constant 4096 : i32
      %parallel_loop3A_188 = arith.constant 16 : i32
      scf.for %parallel_loop3A_238 = %parallel_loop3A to %parallel_loop3A_187 step %parallel_loop3A_188  : i32 {
        %parallel_loop3A_239 = arith.index_cast %parallel_loop3A_238 : i32 to index
        %parallel_loop3A_240 = tpu.vector_load %arg6[%parallel_loop3A_239] {strides = array<i32>} : memref<4096xi32, #tpu.memory_space<vmem>>, vector<16xi32>,
        %parallel_loop3A_241 = tpu.vector_load_idx %arg5[%parallel_loop3A_240] : memref<100000xf32, #tpu.memory_space<vmem>>[vector<16xi32>], vector<16xf32>,
        %parallel_loop3A_242 = arith.constant 128 : i32
        %parallel_loop3A_243 = arith.divsi %parallel_loop3A_238, %parallel_loop3A_242 : i32
        %parallel_loop3A_244 = arith.constant 0 : i32
        %parallel_loop3A_245 = arith.cmpi sgt, %parallel_loop3A_238, %parallel_loop3A_244 : i32
        %parallel_loop3A_246 = arith.extui %parallel_loop3A_245 : i1 to i32
        %parallel_loop3A_247 = arith.constant 0 : i32
        %parallel_loop3A_248 = arith.cmpi slt, %parallel_loop3A_238, %parallel_loop3A_247 : i32
        %parallel_loop3A_249 = arith.extui %parallel_loop3A_248 : i1 to i32
        %parallel_loop3A_250 = arith.subi %parallel_loop3A_246, %parallel_loop3A_249 : i32
        %parallel_loop3A_251 = arith.constant 0 : i32
        %parallel_loop3A_252 = arith.cmpi sgt, %parallel_loop3A_242, %parallel_loop3A_251 : i32
        %parallel_loop3A_253 = arith.extui %parallel_loop3A_252 : i1 to i32
        %parallel_loop3A_254 = arith.constant 0 : i32
        %parallel_loop3A_255 = arith.cmpi slt, %parallel_loop3A_242, %parallel_loop3A_254 : i32
        %parallel_loop3A_256 = arith.extui %parallel_loop3A_255 : i1 to i32
        %parallel_loop3A_257 = arith.subi %parallel_loop3A_253, %parallel_loop3A_256 : i32
        %parallel_loop3A_258 = arith.cmpi ne, %parallel_loop3A_250, %parallel_loop3A_257 : i32
        %parallel_loop3A_259 = arith.remsi %parallel_loop3A_238, %parallel_loop3A_242 : i32
        %parallel_loop3A_260 = arith.constant 0 : i32
        %parallel_loop3A_261 = arith.cmpi ne, %parallel_loop3A_259, %parallel_loop3A_260 : i32
        %parallel_loop3A_262 = arith.andi %parallel_loop3A_258, %parallel_loop3A_261 : i1
        %parallel_loop3A_263 = arith.constant 1 : i32
        %parallel_loop3A_264 = arith.subi %parallel_loop3A_243, %parallel_loop3A_263 : i32
        %parallel_loop3A_265 = arith.select %parallel_loop3A_262, %parallel_loop3A_264, %parallel_loop3A_243 : i32
        %parallel_loop3A_266 = arith.constant 128 : i32
        %parallel_loop3A_267 = arith.constant 0 : i32
        %parallel_loop3A_268 = arith.cmpi eq, %parallel_loop3A_266, %parallel_loop3A_267 : i32
        %parallel_loop3A_269 = arith.constant 1 : i32
        %parallel_loop3A_270 = arith.select %parallel_loop3A_268, %parallel_loop3A_269, %parallel_loop3A_266 : i32
        %parallel_loop3A_271 = arith.remsi %parallel_loop3A_238, %parallel_loop3A_270 : i32
        %parallel_loop3A_272 = arith.constant 0 : i32
        %parallel_loop3A_273 = arith.cmpi ne, %parallel_loop3A_271, %parallel_loop3A_272 : i32
        %parallel_loop3A_274 = arith.constant 0 : i32
        %parallel_loop3A_275 = arith.cmpi slt, %parallel_loop3A_271, %parallel_loop3A_274 : i32
        %parallel_loop3A_276 = arith.constant 0 : i32
        %parallel_loop3A_277 = arith.cmpi slt, %parallel_loop3A_270, %parallel_loop3A_276 : i32
        %parallel_loop3A_278 = arith.xori %parallel_loop3A_275, %parallel_loop3A_277 : i1
        %parallel_loop3A_279 = arith.andi %parallel_loop3A_278, %parallel_loop3A_273 : i1
        %parallel_loop3A_280 = arith.addi %parallel_loop3A_271, %parallel_loop3A_270 : i32
        %parallel_loop3A_281 = arith.select %parallel_loop3A_279, %parallel_loop3A_280, %parallel_loop3A_271 : i32
        %parallel_loop3A_282 = arith.index_cast %parallel_loop3A_265 : i32 to index
        %parallel_loop3A_283 = arith.index_cast %parallel_loop3A_281 : i32 to index
        %parallel_loop3A_284 = tpu.vector_load %arg8[%parallel_loop3A_282, %parallel_loop3A_283] {strides = array<i32>} : memref<32x128xf32, #tpu.memory_space<vmem>>, vector<16xf32>,
        tpu.vector_store %arg8[%parallel_loop3A_282, %parallel_loop3A_283], %parallel_loop3A_241 {strides = array<i32>} : memref<32x128xf32, #tpu.memory_space<vmem>>, vector<16xf32>,
      } {sc.loop_unroll_factor = 32 : i64, sc.parallel_access}
      %dma_start3A_189 = arith.constant 0 : i32
      %dma_start3A_190 = arith.constant 0 : i32
      %dma_start3A_191 = tpu.memref_slice %arg4[%add3A_175, %select_n3A_113, %dma_start3A_189, %select_n3A_129, %dma_start3A_190] : memref<50x8x32x8x128xf32, #tpu.memory_space<hbm>> -> memref<1x1x32x1x128xf32, #tpu.memory_space<hbm>>
      %dma_start3A_192 = tpu.memref_squeeze %dma_start3A_191 : memref<1x1x32x1x128xf32, #tpu.memory_space<hbm>> -> memref<32x128xf32, #tpu.memory_space<hbm>>
      %dma_start3A_193 = arith.constant 0 : i32
      %dma_start3A_194 = arith.constant 0 : i32
      %dma_start3A_195 = tpu.memref_slice %arg4[%add3A_175, %select_n3A_113, %dma_start3A_193, %select_n3A_129, %dma_start3A_194] : memref<50x8x32x8x128xf32, #tpu.memory_space<hbm>> -> memref<1x1x32x1x128xf32, #tpu.memory_space<hbm>>
      %dma_start3A_196 = tpu.memref_squeeze %dma_start3A_195 : memref<1x1x32x1x128xf32, #tpu.memory_space<hbm>> -> memref<32x128xf32, #tpu.memory_space<hbm>>
      tpu.enqueue_dma source(%arg8 : memref<32x128xf32, #tpu.memory_space<vmem>>) target(%dma_start3A_196 : memref<32x128xf32, #tpu.memory_space<hbm>>) target_semaphore(%arg14 : memref<!tpu.dma_semaphore, #tpu.memory_space<semaphore_mem>>)
      %add3A_197 = arith.constant 2 : i32
      %add3A_198 = arith.addi %add3A_175, %add3A_197 : i32
      %lt3A_199 = arith.constant 50 : i32
      %lt3A_200 = arith.cmpi slt, %add3A_198, %lt3A_199 : i32
      %convert_element_type3A_201 = arith.extui %lt3A_200 : i1 to i32
      %cond3A_202 = arith.constant 0 : i32
      %cond3A_203 = arith.cmpi ne, %convert_element_type3A_201, %cond3A_202 : i32
      scf.if %cond3A_203 {
        %add3A_238 = arith.constant 2 : i32
        %add3A_239 = arith.addi %add3A_175, %add3A_238 : i32
        %dma_start3A_240 = arith.constant 0 : i32
        %dma_start3A_241 = tpu.memref_slice %arg10[%add3A_239, %dma_start3A_240] : memref<50x4096xi32, #tpu.memory_space<vmem_shared>> -> memref<1x4096xi32, #tpu.memory_space<vmem_shared>>
        %dma_start3A_242 = tpu.memref_squeeze %dma_start3A_241 : memref<1x4096xi32, #tpu.memory_space<vmem_shared>> -> memref<4096xi32, #tpu.memory_space<vmem_shared>>
        %dma_start3A_243 = arith.constant 0 : i32
        %dma_start3A_244 = tpu.memref_slice %arg10[%add3A_239, %dma_start3A_243] : memref<50x4096xi32, #tpu.memory_space<vmem_shared>> -> memref<1x4096xi32, #tpu.memory_space<vmem_shared>>
        %dma_start3A_245 = tpu.memref_squeeze %dma_start3A_244 : memref<1x4096xi32, #tpu.memory_space<vmem_shared>> -> memref<4096xi32, #tpu.memory_space<vmem_shared>>
        tpu.enqueue_dma source(%dma_start3A_245 : memref<4096xi32, #tpu.memory_space<vmem_shared>>) target(%arg6 : memref<4096xi32, #tpu.memory_space<vmem>>) target_semaphore(%arg12 : memref<!tpu.dma_semaphore, #tpu.memory_space<semaphore_mem>>)
      } else {
      }
      %mul3A_204 = arith.constant 2 : i32
      %mul3A_205 = arith.muli %mul3A_204, %scan3A_171 : i32
      %add3A_206 = arith.constant 1 : i32
      %add3A_207 = arith.addi %mul3A_205, %add3A_206 : i32
      %dma_wait3A_208 = arith.constant 0 : i32
      %dma_wait3A_209 = arith.constant 0 : i32
      %dma_wait3A_210 = tpu.memref_slice %arg10[%dma_wait3A_208, %dma_wait3A_209] : memref<50x4096xi32, #tpu.memory_space<vmem_shared>> -> memref<1x4096xi32, #tpu.memory_space<vmem_shared>>
      %dma_wait3A_211 = tpu.memref_squeeze %dma_wait3A_210 : memref<1x4096xi32, #tpu.memory_space<vmem_shared>> -> memref<4096xi32, #tpu.memory_space<vmem_shared>>
      %dma_wait3A_212 = arith.constant 0 : i32
      %dma_wait3A_213 = tpu.memref_slice %arg10[%dma_wait3A_208, %dma_wait3A_212] : memref<50x4096xi32, #tpu.memory_space<vmem_shared>> -> memref<1x4096xi32, #tpu.memory_space<vmem_shared>>
      %dma_wait3A_214 = tpu.memref_squeeze %dma_wait3A_213 : memref<1x4096xi32, #tpu.memory_space<vmem_shared>> -> memref<4096xi32, #tpu.memory_space<vmem_shared>>
      tpu.wait_dma2 semaphore(%arg13 : memref<!tpu.dma_semaphore, #tpu.memory_space<semaphore_mem>>) src(%dma_wait3A_214 : memref<4096xi32, #tpu.memory_space<vmem_shared>>) dst(%arg7 : memref<4096xi32, #tpu.memory_space<vmem>>)
      %gt3A_215 = arith.constant 0 : i32
      %gt3A_216 = arith.cmpi sgt, %scan3A_171, %gt3A_215 : i32
      %convert_element_type3A_217 = arith.extui %gt3A_216 : i1 to i32
      %cond3A_218 = arith.constant 0 : i32
      %cond3A_219 = arith.cmpi ne, %convert_element_type3A_217, %cond3A_218 : i32
      scf.if %cond3A_219 {
        %dma_wait3A_238 = arith.constant 0 : i32
        %dma_wait3A_239 = arith.constant 0 : i32
        %dma_wait3A_240 = arith.constant 0 : i32
        %dma_wait3A_241 = arith.constant 0 : i32
        %dma_wait3A_242 = arith.constant 0 : i32
        %dma_wait3A_243 = tpu.memref_slice %arg4[%dma_wait3A_238, %dma_wait3A_239, %dma_wait3A_241, %dma_wait3A_240, %dma_wait3A_242] : memref<50x8x32x8x128xf32, #tpu.memory_space<hbm>> -> memref<1x1x32x1x128xf32, #tpu.memory_space<hbm>>
        %dma_wait3A_244 = tpu.memref_squeeze %dma_wait3A_243 : memref<1x1x32x1x128xf32, #tpu.memory_space<hbm>> -> memref<32x128xf32, #tpu.memory_space<hbm>>
        %dma_wait3A_245 = arith.constant 0 : i32
        %dma_wait3A_246 = arith.constant 0 : i32
        %dma_wait3A_247 = tpu.memref_slice %arg4[%dma_wait3A_238, %dma_wait3A_239, %dma_wait3A_245, %dma_wait3A_240, %dma_wait3A_246] : memref<50x8x32x8x128xf32, #tpu.memory_space<hbm>> -> memref<1x1x32x1x128xf32, #tpu.memory_space<hbm>>
        %dma_wait3A_248 = tpu.memref_squeeze %dma_wait3A_247 : memref<1x1x32x1x128xf32, #tpu.memory_space<hbm>> -> memref<32x128xf32, #tpu.memory_space<hbm>>
        tpu.wait_dma2 semaphore(%arg15 : memref<!tpu.dma_semaphore, #tpu.memory_space<semaphore_mem>>) src(%arg9 : memref<32x128xf32, #tpu.memory_space<vmem>>) dst(%dma_wait3A_248 : memref<32x128xf32, #tpu.memory_space<hbm>>)
      } else {
      }
      %parallel_loop3A_220 = arith.constant 0 : i32
      %parallel_loop3A_221 = arith.constant 4096 : i32
      %parallel_loop3A_222 = arith.constant 16 : i32
      scf.for %parallel_loop3A_238 = %parallel_loop3A_220 to %parallel_loop3A_221 step %parallel_loop3A_222  : i32 {
        %parallel_loop3A_239 = arith.index_cast %parallel_loop3A_238 : i32 to index
        %parallel_loop3A_240 = tpu.vector_load %arg7[%parallel_loop3A_239] {strides = array<i32>} : memref<4096xi32, #tpu.memory_space<vmem>>, vector<16xi32>,
        %parallel_loop3A_241 = tpu.vector_load_idx %arg5[%parallel_loop3A_240] : memref<100000xf32, #tpu.memory_space<vmem>>[vector<16xi32>], vector<16xf32>,
        %parallel_loop3A_242 = arith.constant 128 : i32
        %parallel_loop3A_243 = arith.divsi %parallel_loop3A_238, %parallel_loop3A_242 : i32
        %parallel_loop3A_244 = arith.constant 0 : i32
        %parallel_loop3A_245 = arith.cmpi sgt, %parallel_loop3A_238, %parallel_loop3A_244 : i32
        %parallel_loop3A_246 = arith.extui %parallel_loop3A_245 : i1 to i32
        %parallel_loop3A_247 = arith.constant 0 : i32
        %parallel_loop3A_248 = arith.cmpi slt, %parallel_loop3A_238, %parallel_loop3A_247 : i32
        %parallel_loop3A_249 = arith.extui %parallel_loop3A_248 : i1 to i32
        %parallel_loop3A_250 = arith.subi %parallel_loop3A_246, %parallel_loop3A_249 : i32
        %parallel_loop3A_251 = arith.constant 0 : i32
        %parallel_loop3A_252 = arith.cmpi sgt, %parallel_loop3A_242, %parallel_loop3A_251 : i32
        %parallel_loop3A_253 = arith.extui %parallel_loop3A_252 : i1 to i32
        %parallel_loop3A_254 = arith.constant 0 : i32
        %parallel_loop3A_255 = arith.cmpi slt, %parallel_loop3A_242, %parallel_loop3A_254 : i32
        %parallel_loop3A_256 = arith.extui %parallel_loop3A_255 : i1 to i32
        %parallel_loop3A_257 = arith.subi %parallel_loop3A_253, %parallel_loop3A_256 : i32
        %parallel_loop3A_258 = arith.cmpi ne, %parallel_loop3A_250, %parallel_loop3A_257 : i32
        %parallel_loop3A_259 = arith.remsi %parallel_loop3A_238, %parallel_loop3A_242 : i32
        %parallel_loop3A_260 = arith.constant 0 : i32
        %parallel_loop3A_261 = arith.cmpi ne, %parallel_loop3A_259, %parallel_loop3A_260 : i32
        %parallel_loop3A_262 = arith.andi %parallel_loop3A_258, %parallel_loop3A_261 : i1
        %parallel_loop3A_263 = arith.constant 1 : i32
        %parallel_loop3A_264 = arith.subi %parallel_loop3A_243, %parallel_loop3A_263 : i32
        %parallel_loop3A_265 = arith.select %parallel_loop3A_262, %parallel_loop3A_264, %parallel_loop3A_243 : i32
        %parallel_loop3A_266 = arith.constant 128 : i32
        %parallel_loop3A_267 = arith.constant 0 : i32
        %parallel_loop3A_268 = arith.cmpi eq, %parallel_loop3A_266, %parallel_loop3A_267 : i32
        %parallel_loop3A_269 = arith.constant 1 : i32
        %parallel_loop3A_270 = arith.select %parallel_loop3A_268, %parallel_loop3A_269, %parallel_loop3A_266 : i32
        %parallel_loop3A_271 = arith.remsi %parallel_loop3A_238, %parallel_loop3A_270 : i32
        %parallel_loop3A_272 = arith.constant 0 : i32
        %parallel_loop3A_273 = arith.cmpi ne, %parallel_loop3A_271, %parallel_loop3A_272 : i32
        %parallel_loop3A_274 = arith.constant 0 : i32
        %parallel_loop3A_275 = arith.cmpi slt, %parallel_loop3A_271, %parallel_loop3A_274 : i32
        %parallel_loop3A_276 = arith.constant 0 : i32
        %parallel_loop3A_277 = arith.cmpi slt, %parallel_loop3A_270, %parallel_loop3A_276 : i32
        %parallel_loop3A_278 = arith.xori %parallel_loop3A_275, %parallel_loop3A_277 : i1
        %parallel_loop3A_279 = arith.andi %parallel_loop3A_278, %parallel_loop3A_273 : i1
        %parallel_loop3A_280 = arith.addi %parallel_loop3A_271, %parallel_loop3A_270 : i32
        %parallel_loop3A_281 = arith.select %parallel_loop3A_279, %parallel_loop3A_280, %parallel_loop3A_271 : i32
        %parallel_loop3A_282 = arith.index_cast %parallel_loop3A_265 : i32 to index
        %parallel_loop3A_283 = arith.index_cast %parallel_loop3A_281 : i32 to index
        %parallel_loop3A_284 = tpu.vector_load %arg9[%parallel_loop3A_282, %parallel_loop3A_283] {strides = array<i32>} : memref<32x128xf32, #tpu.memory_space<vmem>>, vector<16xf32>,
        tpu.vector_store %arg9[%parallel_loop3A_282, %parallel_loop3A_283], %parallel_loop3A_241 {strides = array<i32>} : memref<32x128xf32, #tpu.memory_space<vmem>>, vector<16xf32>,
      } {sc.loop_unroll_factor = 32 : i64, sc.parallel_access}
      %dma_start3A_223 = arith.constant 0 : i32
      %dma_start3A_224 = arith.constant 0 : i32
      %dma_start3A_225 = tpu.memref_slice %arg4[%add3A_207, %select_n3A_113, %dma_start3A_223, %select_n3A_129, %dma_start3A_224] : memref<50x8x32x8x128xf32, #tpu.memory_space<hbm>> -> memref<1x1x32x1x128xf32, #tpu.memory_space<hbm>>
      %dma_start3A_226 = tpu.memref_squeeze %dma_start3A_225 : memref<1x1x32x1x128xf32, #tpu.memory_space<hbm>> -> memref<32x128xf32, #tpu.memory_space<hbm>>
      %dma_start3A_227 = arith.constant 0 : i32
      %dma_start3A_228 = arith.constant 0 : i32
      %dma_start3A_229 = tpu.memref_slice %arg4[%add3A_207, %select_n3A_113, %dma_start3A_227, %select_n3A_129, %dma_start3A_228] : memref<50x8x32x8x128xf32, #tpu.memory_space<hbm>> -> memref<1x1x32x1x128xf32, #tpu.memory_space<hbm>>
      %dma_start3A_230 = tpu.memref_squeeze %dma_start3A_229 : memref<1x1x32x1x128xf32, #tpu.memory_space<hbm>> -> memref<32x128xf32, #tpu.memory_space<hbm>>
      tpu.enqueue_dma source(%arg9 : memref<32x128xf32, #tpu.memory_space<vmem>>) target(%dma_start3A_230 : memref<32x128xf32, #tpu.memory_space<hbm>>) target_semaphore(%arg15 : memref<!tpu.dma_semaphore, #tpu.memory_space<semaphore_mem>>)
      %add3A_231 = arith.constant 2 : i32
      %add3A_232 = arith.addi %add3A_207, %add3A_231 : i32
      %lt3A_233 = arith.constant 50 : i32
      %lt3A_234 = arith.cmpi slt, %add3A_232, %lt3A_233 : i32
      %convert_element_type3A_235 = arith.extui %lt3A_234 : i1 to i32
      %cond3A_236 = arith.constant 0 : i32
      %cond3A_237 = arith.cmpi ne, %convert_element_type3A_235, %cond3A_236 : i32
      scf.if %cond3A_237 {
        %add3A_238 = arith.constant 2 : i32
        %add3A_239 = arith.addi %add3A_207, %add3A_238 : i32
        %dma_start3A_240 = arith.constant 0 : i32
        %dma_start3A_241 = tpu.memref_slice %arg10[%add3A_239, %dma_start3A_240] : memref<50x4096xi32, #tpu.memory_space<vmem_shared>> -> memref<1x4096xi32, #tpu.memory_space<vmem_shared>>
        %dma_start3A_242 = tpu.memref_squeeze %dma_start3A_241 : memref<1x4096xi32, #tpu.memory_space<vmem_shared>> -> memref<4096xi32, #tpu.memory_space<vmem_shared>>
        %dma_start3A_243 = arith.constant 0 : i32
        %dma_start3A_244 = tpu.memref_slice %arg10[%add3A_239, %dma_start3A_243] : memref<50x4096xi32, #tpu.memory_space<vmem_shared>> -> memref<1x4096xi32, #tpu.memory_space<vmem_shared>>
        %dma_start3A_245 = tpu.memref_squeeze %dma_start3A_244 : memref<1x4096xi32, #tpu.memory_space<vmem_shared>> -> memref<4096xi32, #tpu.memory_space<vmem_shared>>
        tpu.enqueue_dma source(%dma_start3A_245 : memref<4096xi32, #tpu.memory_space<vmem_shared>>) target(%arg7 : memref<4096xi32, #tpu.memory_space<vmem>>) target_semaphore(%arg13 : memref<!tpu.dma_semaphore, #tpu.memory_space<semaphore_mem>>)
      } else {
      }
    }
    %scan3A_148 = arith.constant 25 : i32
    %dma_wait3A_149 = arith.constant 0 : i32
    %dma_wait3A_150 = arith.constant 0 : i32
    %dma_wait3A_151 = arith.constant 0 : i32
    %dma_wait3A_152 = arith.constant 0 : i32
    %dma_wait3A_153 = arith.constant 0 : i32
    %dma_wait3A_154 = tpu.memref_slice %arg4[%dma_wait3A_149, %dma_wait3A_150, %dma_wait3A_152, %dma_wait3A_151, %dma_wait3A_153] : memref<50x8x32x8x128xf32, #tpu.memory_space<hbm>> -> memref<1x1x32x1x128xf32, #tpu.memory_space<hbm>>
    %dma_wait3A_155 = tpu.memref_squeeze %dma_wait3A_154 : memref<1x1x32x1x128xf32, #tpu.memory_space<hbm>> -> memref<32x128xf32, #tpu.memory_space<hbm>>
    %dma_wait3A_156 = arith.constant 0 : i32
    %dma_wait3A_157 = arith.constant 0 : i32
    %dma_wait3A_158 = tpu.memref_slice %arg4[%dma_wait3A_149, %dma_wait3A_150, %dma_wait3A_156, %dma_wait3A_151, %dma_wait3A_157] : memref<50x8x32x8x128xf32, #tpu.memory_space<hbm>> -> memref<1x1x32x1x128xf32, #tpu.memory_space<hbm>>
    %dma_wait3A_159 = tpu.memref_squeeze %dma_wait3A_158 : memref<1x1x32x1x128xf32, #tpu.memory_space<hbm>> -> memref<32x128xf32, #tpu.memory_space<hbm>>
    tpu.wait_dma2 semaphore(%arg14 : memref<!tpu.dma_semaphore, #tpu.memory_space<semaphore_mem>>) src(%arg8 : memref<32x128xf32, #tpu.memory_space<vmem>>) dst(%dma_wait3A_159 : memref<32x128xf32, #tpu.memory_space<hbm>>)
    %dma_wait3A_160 = arith.constant 0 : i32
    %dma_wait3A_161 = arith.constant 0 : i32
    %dma_wait3A_162 = arith.constant 0 : i32
    %dma_wait3A_163 = arith.constant 0 : i32
    %dma_wait3A_164 = arith.constant 0 : i32
    %dma_wait3A_165 = tpu.memref_slice %arg4[%dma_wait3A_160, %dma_wait3A_161, %dma_wait3A_163, %dma_wait3A_162, %dma_wait3A_164] : memref<50x8x32x8x128xf32, #tpu.memory_space<hbm>> -> memref<1x1x32x1x128xf32, #tpu.memory_space<hbm>>
    %dma_wait3A_166 = tpu.memref_squeeze %dma_wait3A_165 : memref<1x1x32x1x128xf32, #tpu.memory_space<hbm>> -> memref<32x128xf32, #tpu.memory_space<hbm>>
    %dma_wait3A_167 = arith.constant 0 : i32
    %dma_wait3A_168 = arith.constant 0 : i32
    %dma_wait3A_169 = tpu.memref_slice %arg4[%dma_wait3A_160, %dma_wait3A_161, %dma_wait3A_167, %dma_wait3A_162, %dma_wait3A_168] : memref<50x8x32x8x128xf32, #tpu.memory_space<hbm>> -> memref<1x1x32x1x128xf32, #tpu.memory_space<hbm>>
    %dma_wait3A_170 = tpu.memref_squeeze %dma_wait3A_169 : memref<1x1x32x1x128xf32, #tpu.memory_space<hbm>> -> memref<32x128xf32, #tpu.memory_space<hbm>>
    tpu.wait_dma2 semaphore(%arg15 : memref<!tpu.dma_semaphore, #tpu.memory_space<semaphore_mem>>) src(%arg9 : memref<32x128xf32, #tpu.memory_space<vmem>>) dst(%dma_wait3A_170 : memref<32x128xf32, #tpu.memory_space<hbm>>)
    return
  }
}

</mosaic_0001>

<sc_bundles>
// kernel: kernel.3.cloned.1.call-start
scs
__scs_entry_jumppad:
0x0: {  	(pc) =	sbr.rel $0x88, $3  }
0x1: {  	(tag) =	ssettag $0x0;
	lr =	simm.s32 $0x1  }
0x2: {  	[smem:$0x3F9F] =	sst lr;
	_ =	strace $0xD0000000  }
0x3: {  	_ = 	snop  }
0x4: {  	_ = 	snop  }
0x5: {  	_ = 	snop  }
0x6: {  	_ = 	snop  }
0x7: {  	_ = 	snop  }
__scs_overlays_trampoline_lowered:
0x8: {  	[smem:$0x3FAE] =	sst s0  }
0x9: {  	[smem:$0x3FAF] =	sst s1  }
0xa: {  	[smem:$0x3FB0] =	sst s2  }
0xb: {  	[smem:$0x3FB1] =	sst s3  }
0xc: {  	[smem:$0x3FB2] =	sst s4  }
0xd: {  	[smem:$0x3FB3] =	sst s5  }
0xe: {  	[smem:$0x3FB4] =	sst s6  }
0xf: {  	[smem:$0x3FB5] =	sst s7  }
0x10: {  	[smem:$0x3FB6] =	sst s8  }
0x11: {  	[smem:$0x3FB7] =	sst s9;
	s0 =	simm.s32 @!p0 $0x0  }
0x12: {  	s1 =	sld [smem:$0x3F9D];
	s0 =	simm.s32 @p0 $0x1  }
0x13: {  	[smem:$0x3FB8] =	sst s0;
	s0 =	simm.s32 @!p1 $0x0  }
0x14: {  	s2 =	sld [smem:$0x3F9C];
	s0 =	simm.s32 @p1 $0x1  }
0x15: {  	[smem:$0x3FB9] =	sst s0;
	s0 =	simm.s32 @!p2 $0x0  }
0x16: {  	s3 =	sld [smem:$0x3FDB];
	s0 =	simm.s32 @p2 $0x1  }
0x17: {  	s4 =	simm.s32 $0x1BF5;
	[smem:$0x3FBB] =	sst s0  }
0x18: {  	s0 =	sld [smem:$0x3F9E];
	_ =	swait.ge [sflag:s4], $0x0  }
0x19: {  	s7 =	sld [smem:$0x3F9F]  }
0x1a: {  	s8 =	sadd.s32 $0xFFFFE003, lr  }
0x1b: {  	s9 =	sadd.s32 $0xFFFFFEF7, lr;
	s5 =	simm.s32 $0xFFFFFFFF;
	p2 =	slt.u32 s8, $0xFFFFF086  }
0x1c: {  	p1 =	slt.u32 s9, $0xF7A;
	s5 =	simm.s32 @!p2 $0x0  }
0x1d: {  	s5 =	simm.s32 @p1 $0x1;
	p0 =	seq.s32 s7, s2  }
0x1e: {  	s7 =	smul.u32 @!p0 $0xF7A, s2;
	p2 =	seq.s32 @!p0 s5, $0x0  }
0x1f: {  	s9 =	smul.u32 $0xF7A, s1;
	s8 =	simm.s32 @!p0 $0x1BF5;
	p2 =	por !p2, p0  }
0x20: {  	[sflag:s8] =	ssyncset.s32 @!p0 $0xFFFFF086;
	s6 =	sadd.s32 @!p0 s3, s7;
	s7 =	simm.s32 @!p0 $0x108  }
0x21: {  	s3 =	sadd.s32 s3, s9;
	s6 =	sadd.s32 @!p0 $0x88, s6;
	s7 =	simm.s32 @p2 $0x1082  }
0x22: {  	[simem:s7], [sflag:s8] =	dma.local @!p0 [hbm:s6], $0xF7A  }
0x23: {  	s9 =	sor.u32 $0xD0000000, s2;
	s6 =	simm.s32 $0x108;
	_ =	swait.ge @!p0 [sflag:s8], $0x0  }
0x24: {  	s3 =	sadd.s32 $0x88, s3;
	s6 =	simm.s32 @!p1 $0x1082;
	[sflag:s4] =	ssyncset.s32 $0xFFFFF086  }
0x25: {  	[simem:s6], [sflag:s4] =	dma.local [hbm:s3], $0xF7A  }
0x26: {  	[smem:$0x3F9F] =	sst s1;
	(tag) =	ssettag s2;
	_ =	strace s9  }
0x27: {  	s1 =	sld [smem:$0x3FAF]  }
0x28: {  	s2 =	sld [smem:$0x3FB0]  }
0x29: {  	s4 =	sld [smem:$0x3FB2]  }
0x2a: {  	p0 =	seq.s32 s5, $0x0;
	s5 =	sld [smem:$0x3FB3]  }
0x2b: {  	s6 =	sld [smem:$0x3FB4]  }
0x2c: {  	s7 =	sld [smem:$0x3FB5]  }
0x2d: {  	s3 =	simm.s32 $0x108;
	s8 =	sld [smem:$0x3FB6]  }
0x2e: {  	s3 =	simm.s32 @!p0 $0x1082;
	s9 =	sld [smem:$0x3FB7]  }
0x2f: {  	lr =	sadd.s32 s0, s3;
	s0 =	sld [smem:$0x3FAE]  }
0x30: {  	s3 =	sld [smem:$0x3FB1]  }
0x31: {  	[smem:$0x3FBA] =	sst s10  }
0x32: {  	s10 =	sld [smem:$0x3FB8];
	_ =	sdelay $0x3  }
0x33: {  	p0 =	seq.s32 s10, $0x1;
	s10 =	sld [smem:$0x3FBA];
	_ =	sdelay $0x3  }
0x34: {  	[smem:$0x3FBA] =	sst s10  }
0x35: {  	s10 =	sld [smem:$0x3FB9];
	_ =	sdelay $0x3  }
0x36: {  	p1 =	seq.s32 s10, $0x1;
	s10 =	sld [smem:$0x3FBA];
	_ =	sdelay $0x3  }
0x37: {  	[smem:$0x3FBA] =	sst s10  }
0x38: {  	s10 =	sld [smem:$0x3FBB]  }
0x39: {  	_ = 	snop;
	(pc) =	sbr.ind lr, $3  }
0x3a: {  	_ = 	snop  }
0x3b: {  	_ = 	snop  }
0x3c: {  	p2 =	seq.s32 s10, $0x1;
	s10 =	sld [smem:$0x3FBA]  }
0x3d: {  	_ =	shalt  }
0x3e: {  	_ =	shalt  }
0x3f: {  	_ =	shalt  }
0x40: {  	_ =	shalt  }
0x41: {  	_ =	shalt  }
0x42: {  	_ =	shalt  }
0x43: {  	_ =	shalt  }
0x44: {  	_ =	shalt  }
0x45: {  	_ =	shalt  }
0x46: {  	_ =	shalt  }
0x47: {  	_ =	shalt  }
0x48: {  	_ =	shalt  }
0x49: {  	_ =	shalt  }
0x4a: {  	_ =	shalt  }
0x4b: {  	_ =	shalt  }
0x4c: {  	_ =	shalt  }
0x4d: {  	_ =	shalt  }
0x4e: {  	_ =	shalt  }
0x4f: {  	_ =	shalt  }
0x50: {  	_ =	shalt  }
0x51: {  	_ =	shalt  }
0x52: {  	_ =	shalt  }
0x53: {  	_ =	shalt  }
0x54: {  	_ =	shalt  }
0x55: {  	_ =	shalt  }
0x56: {  	_ =	shalt  }
0x57: {  	_ =	shalt  }
0x58: {  	_ =	shalt  }
0x59: {  	_ =	shalt  }
0x5a: {  	_ =	shalt  }
0x5b: {  	_ =	shalt  }
0x5c: {  	_ =	shalt  }
0x5d: {  	_ =	shalt  }
0x5e: {  	_ =	shalt  }
0x5f: {  	_ =	shalt  }
0x60: {  	_ =	shalt  }
0x61: {  	_ =	shalt  }
0x62: {  	_ =	shalt  }
0x63: {  	_ =	shalt  }
0x64: {  	_ =	shalt  }
0x65: {  	_ =	shalt  }
0x66: {  	_ =	shalt  }
0x67: {  	_ =	shalt  }
0x68: {  	_ =	shalt  }
0x69: {  	_ =	shalt  }
0x6a: {  	_ =	shalt  }
0x6b: {  	_ =	shalt  }
0x6c: {  	_ =	shalt  }
0x6d: {  	_ =	shalt  }
0x6e: {  	_ =	shalt  }
0x6f: {  	_ =	shalt  }
0x70: {  	_ =	shalt  }
0x71: {  	_ =	shalt  }
0x72: {  	_ =	shalt  }
0x73: {  	_ =	shalt  }
0x74: {  	_ =	shalt  }
0x75: {  	_ =	shalt  }
0x76: {  	_ =	shalt  }
0x77: {  	_ =	shalt  }
0x78: {  	_ =	shalt  }
0x79: {  	_ =	shalt  }
0x7a: {  	_ =	shalt  }
0x7b: {  	_ =	shalt  }
0x7c: {  	_ =	shalt  }
0x7d: {  	_ =	shalt  }
0x7e: {  	_ =	shalt  }
0x7f: {  	_ =	shalt  }
0x80: {  	_ =	shalt  }
0x81: {  	_ =	shalt  }
0x82: {  	_ =	shalt  }
0x83: {  	_ =	shalt  }
0x84: {  	_ =	shalt  }
0x85: {  	_ =	shalt  }
0x86: {  	_ =	shalt  }
0x87: {  	_ =	shalt  }
.Lfunc_end0:
.L_simem_size_0:
called_computation_lowered:
.L_overlay_start_0:
0x88: {  	s2 =	sld [smem:$0x3FD9]  }
0x89: {  	s3 =	sld [smem:$0x3FFE];
	_ =	sdelay $0x1  }
0x8a: {  	s1 =	srdreg.scid  }
0x8b: {  	s0 =	sand.u32 $0x1, s1  }
0x8c: {  	s17 =	sshll.u32 s0, $0xA;
	s2 =	sadd.s32 s3, s2  }
0x8d: {  	s2 =	sadd.s32 s2, s17  }
0x8e: {  	[smem:$0x3FC6] =	sst s2  }
0x8f: {  	_ = 	snop  }
0x90: {  	s2 =	sld [smem:$0x3FD0];
	(tm) =	ssettm $0x1  }
0x91: {  	s18 =	sld [smem:$0x3FFB];
	_ =	sdelay $0x3  }
0x92: {  	_ =	strace s18  }
0x93: {  	s3 =	sld [smem:$0x3FFC];
	_ =	sdelay $0x3  }
0x94: {  	_ =	strace s3  }
0x95: {  	s3 =	sld [smem:$0x3FFD];
	_ =	sdelay $0x3  }
0x96: {  	_ =	strace s3  }
0x97: {  	_ =	strace $0x8FFFFFFF  }
0x98: {  	s19 =	sld [smem:$0x3FDB];
	_ =	sdelay $0x1  }
0x99: {  	s4 =	simm.s32 $_scs_section_size  }
0x9a: {  	s5 =	simm.s32 $_size__tile_overlayer_lowered;
	s6 =	simm.s32 $_tile_overlayer_lowered  }
0x9b: {  	s22 =	simm.s32 $0x1BFF;
	s21 =	sshll.u32 s6, $0x1;
	s3 =	sadd.s32 s4, s19  }
0x9c: {  	s7 =	simm.s32 $0x0;
	s20 =	sshll.u32 s5, $0x1;
	s5 =	sadd.s32 s21, s3  }
0x9d: {  	[timem:s7], [sflag:s22] =	dma.local [hbm:s5], s20  }
0x9e: {  	_ =	swait.ge [sflag:s22], s20  }
0x9f: {  	s4 =	ssub.s32 $0x0, s20;
	[sflag:s22] =	ssyncset.done $0x0  }
0xa0: {  	[sflag:s22] =	ssyncadd.s32 s4;
	_ =	sdelay $0x1  }
0xa1: {  	s23 =	simm.s32 $0x1B8B  }
0xa2: {  	_ =	swait.ge [sflag:s23], $0x1  }
0xa3: {  	[sflag:s23] =	ssyncset.done $0x0  }
0xa4: {  	s25 =	simm.s32 $0x1B8E;
	s24 =	sld [smem:$0x3FFE];
	[sflag:s23] =	ssyncadd.s32 $0xFFFFFFFF  }
0xa5: {  	s26 =	simm.s32 $execute0_lowered;
	[smem:$0x3FD2] =	sst s25  }
0xa6: {  	s5 =	sshll.u32 s26, $0x1;
	_ =	strace $0x80000046;
	[dreg:$0x1] =	wrdreg $0xFFFFFFFF  }
0xa7: {  	s28 =	simm.s32 $_size_execute0_lowered;
	s3 =	sadd.s32 s3, s5;
	[dreg:$0x0] =	wrdreg $0x0  }
0xa8: {  	s5 =	sshll.u32 s28, $0x1;
	[dreg:$0x2] =	wrdreg s3  }
0xa9: {  	[dreg:$0x3] =	wrdreg s5  }
0xaa: {  	[dreg:$0x4] =	wrdreg $0xC0  }
0xab: {  	_ =	task [dreg:s7], $0x5FFFF  }
0xac: {  	[dreg:$0x1] =	wrdreg $0xFFFFFFFF  }
0xad: {  	[dreg:$0x0] =	wrdreg $0x60  }
0xae: {  	[dreg:$0x2] =	wrdreg s24  }
0xaf: {  	[dreg:$0x3] =	wrdreg s2  }
0xb0: {  	[dreg:$0x4] =	wrdreg $0x1C6A00  }
0xb1: {  	[dreg:$0x5] =	wrdreg $0x9  }
0xb2: {  	_ =	task.clear_ibuf [dreg:s7], $0x6FFFF;
	_ =	strace $0x90000046  }
0xb3: {  	s29 =	simm.s32 $0x9;
	_ =	strace $0x80000048  }
0xb4: {  	_ =	swait.ge [sflag:s29], $0x1  }
0xb5: {  	[sflag:s29] =	ssyncadd.s32 $0xFFFFFFFF  }
0xb6: {  	_ =	strace $0x90000048  }
0xb7: {  	_ =	sfence  }
0xb8: {  	s30 =	sld [smem:$0x0];
	_ =	sdelay $0x2  }
0xb9: {  	s31 =	sshll.u32 s1, $0xD;
	s1 =	sshrl.u32 s1, $0x2  }
0xba: {  	s3 =	sand.u32 $0x4000, s31;
	s1 =	sadd.s32 s1, s30  }
0xbb: {  	s0 =	sor.u32 s3, s0;
	s1 =	sshll.u32 s1, $0x11  }
0xbc: {  	s0 =	sor.u32 s1, s0  }
0xbd: {  	s0 =	sadd.s32 $0x8F2B, s0  }
0xbe: {  	[sflag:s0] =	ssyncadd.remote.s32 $0x1  }
0xbf: {  	_ =	sfence.sel $0xFFFF  }
0xc0: {  	[dreg:$0x0] =	wrdreg $0xFFFFFFFF;
	(pc) =	sbr.abs _section_cstart, $3  }
0xc1: {  	[dreg:$0x1] =	wrdreg $0xFFFFFFFF  }
0xc2: {  	_ =	task.clear_ibuf [dreg:s7], $0x2FFFF;
	_ =	strace $0x9FFFFFFF  }
0xc3: {  	(tm) =	ssettm $0x7FFFFFFF  }
tec
execute0_lowered:
.L_overlay_start_1:
0x0: {  	(tag) =	ssettag $0x1  }
0x1: {  	s1 =	rddreg [dreg:$0x0]  }
0x2: {  	s2 =	srdreg.scid;
	s0 =	rddreg [dreg:$0x1]  }
0x3: {  	s4 =	stileid.u32;
	s3 =	simm.s32 $0x0;
	s14 =	simm.s32 $0x1  }
0x4: {  	s15 =	simm.s32 $0x186A0;
	s16 =	simm.s32 $0x196A0;
	s17 =	simm.s32 $0x2  }
0x5: {  	s18 =	simm.s32 $0x80;
	s19 =	simm.s32 $0x400;
	s20 =	simm.s32 $0x1A6A0  }
0x6: {  	s21 =	simm.s32 $0x3;
	s22 =	simm.s32 $0x5;
	s23 =	simm.s32 $0x1B6A0  }
0x7: {  	s24 =	simm.s32 $0x4;
	s25 =	simm.s32 $0x6;
	s26 =	simm.s32 $0x0  }
0x8: {  	s5 =	sand.u32 $0x1, s2;
	s2 =	rddreg [dreg:$0x2];
	s6 =	sshll.u32 s4, $0x2  }
0x9: {  	[smem:$0x7FF] =	sst s3;
	s10 =	sadd.s32 $0x6800, s1;
	s1 =	sadd.s32 $0x400, s1  }
0xa: {  	s31 =	sshll.u32 s4, $0xB;
	s9 =	sadd.s32 $0x8000, s0;
	p0 =	sne.s32 s4, $0x0  }
0xb: {  	s7 =	sshll.u32 s5, $0x1;
	s5 =	ssub.s32 $0x2, s5;
	_ =	strace $0x80000047  }
0xc: {  	[dreg:$0x4] =	wrdreg s1;
	s13 =	sshrl.u32 @!p0 s2, $0x3;
	s8 =	sor.u32 s7, s6  }
.Ltmp0:
0xd: {  	s29 =	sshrl.u32 s5, $0x1;
	s7 =	sand.u32 $0x7000, s31;
	(pc) =	sbr.rel .LBB2_1-.Ltmp0, $4  }
0xe: {  	s6 =	smul.u32 $0x30D4, s8;
	s11 =	sor.u32 $0x1, s8;
	s8 =	sshll.u32 s8, $0x4  }
0xf: {  	s30 =	ssub.s32 s5, s29;
	s12 =	smul.u32 $0x30D4, s11;
	s8 =	sand.u32 $0x60, s8  }
0x10: {  	s11 =	sshll.u32 s11, $0x4;
	s5 =	sadd.s32 s10, s6;
	s6 =	sadd.s32 $0x1000, s2  }
0x11: {  	s11 =	sand.u32 $0x70, s11;
	s10 =	sadd.s32 s10, s12;
	s12 =	smax.u32 s30, $0x1  }
.LBB2_23:
0x12: {  	s26 =	sadd.s32 $0x1, s26  }
0x13: {  	_ =	swait.ge [sflag:s24], $0x1000;
	p1 =	sne.s32 s26, s12  }
.Ltmp1:
0x14: {  	[sflag:s24] =	ssyncset.done $0x0;
	(pc) =	sbr.rel @!p1 .LBB2_24-.Ltmp1, $4  }
0x15: {  	[sflag:s24] =	ssyncadd.s32 $0xFFFFF000  }
0x16: {  	_ =	swait.ge [sflag:s22], $0x1000  }
0x17: {  	[sflag:s22] =	ssyncset.done $0x0  }
0x18: {  	[sflag:s22] =	ssyncadd.s32 $0xFFFFF000  }
.LBB2_1:
0x19: {  	s1 =	simm.s32 @!p0 $0x1C06;
	s4 =	rddreg [dreg:$0x4]  }
0x1a: {  	[spmem:s13], [sflag:s1] =	dma.local @!p0 [hbm:s4], $0x6400  }
0x1b: {  	s1 =	simm.s32 @!p0 $0x6  }
0x1c: {  	_ =	swait.ge @!p0 [sflag:s1], $0x6400  }
0x1d: {  	[sflag:s1] =	ssyncset.done @!p0 $0x0  }
0x1e: {  	[sflag:s1] =	ssyncadd.s32 @!p0 $0xFFFF9C00  }
0x1f: {  	[tilespmem:s3], [sflag:$0x1] =	stream.linear.gather [hbm4b:s5+s3], $0x186A0, $0x38;
	[tilespmem:$0x1F8A0] =	vst v63  }
0x20: {  	[bflag:$0x0] =	sbarrier.arrive $0xFFFF  }
0x21: {  	_ =	swait.ge [sflag:s14], $0x186A0  }
0x22: {  	[sflag:s14] =	ssyncset.done $0x0  }
0x23: {  	[sflag:s14] =	ssyncadd.s32 $0xFFFE7960  }
0x24: {  	[tilespmem:s15], [sflag:$0x2] =	stream.linear.gather [spmem:s2], $0x1000, $0x38;
	[tilespmem:$0x1F8A0] =	vst v63  }
0x25: {  	s28 =	simm.s32 $0x0  }
0x26: {  	[tilespmem:s16], [sflag:$0x3] =	stream.linear.gather [spmem:s6], $0x1000, $0x38;
	[tilespmem:$0x1F8A0] =	vst v63  }
.LBB2_2:
0x27: {  	_ =	swait.ge [sflag:s17], $0x1000  }
0x28: {  	p1 =	seq.s32 s28, $0x0;
	[sflag:s17] =	ssyncset.done $0x0  }
0x29: {  	s1 =	simm.s32 @!p1 $0x4;
	[sflag:s17] =	ssyncadd.s32 $0xFFFFF000  }
0x2a: {  	_ =	swait.ge @!p1 [sflag:s1], $0x1000  }
0x2b: {  	[sflag:s1] =	ssyncset.done @!p1 $0x0  }
0x2c: {  	s4 =	simm.s32 $0x187A0;
	[sflag:s1] =	ssyncadd.s32 @!p1 $0xFFFFF000  }
0x2d: {  	v0 =	vld [tilespmem:s4+$0xF0]  }
0x2e: {  	v1 =	vld [tilespmem:s4+$0xFFFFFF10]  }
0x2f: {  	v2 =	vld [tilespmem:s4+$0xFFFFFF20]  }
0x30: {  	v3 =	vld [tilespmem:s4+$0xFFFFFF30]  }
0x31: {  	v4 =	vld [tilespmem:s4+$0xFFFFFF40]  }
0x32: {  	v5 =	vld [tilespmem:s4+$0xFFFFFF50]  }
0x33: {  	v6 =	vld [tilespmem:s4+$0xFFFFFF60]  }
0x34: {  	v7 =	vld [tilespmem:s4+$0xFFFFFF70]  }
0x35: {  	v8 =	vld [tilespmem:s4+$0xFFFFFF80]  }
0x36: {  	v9 =	vld [tilespmem:s4+$0xFFFFFF90]  }
0x37: {  	v10 =	vld [tilespmem:s4+$0xFFFFFFA0]  }
0x38: {  	v11 =	vld [tilespmem:s4+$0xFFFFFFB0]  }
0x39: {  	v12 =	vld [tilespmem:s4+$0xFFFFFFC0]  }
0x3a: {  	v13 =	vld [tilespmem:s4+$0xFFFFFFD0]  }
0x3b: {  	v14 =	vld [tilespmem:s4+$0xFFFFFFE0]  }
0x3c: {  	v15 =	vld [tilespmem:s4+$0xFFFFFFF0]  }
0x3d: {  	v16 =	vld [tilespmem:s4+$0x0]  }
0x3e: {  	v17 =	vld [tilespmem:s4+$0x10]  }
0x3f: {  	v18 =	vld [tilespmem:s4+$0x20]  }
0x40: {  	v19 =	vld [tilespmem:s4+$0x30]  }
0x41: {  	v20 =	vld [tilespmem:s4+$0x40]  }
0x42: {  	v21 =	vld [tilespmem:s4+$0x50]  }
0x43: {  	v22 =	vld [tilespmem:s4+$0x60]  }
0x44: {  	v23 =	vld [tilespmem:s4+$0x70]  }
0x45: {  	v24 =	vld [tilespmem:s4+$0x80]  }
0x46: {  	v25 =	vld [tilespmem:s4+$0x90]  }
0x47: {  	v26 =	vld [tilespmem:s4+$0xA0]  }
0x48: {  	v27 =	vld [tilespmem:s4+$0xB0]  }
0x49: {  	v28 =	vld [tilespmem:s4+$0xC0]  }
0x4a: {  	v29 =	vld [tilespmem:s4+$0xD0]  }
0x4b: {  	v30 =	vld [tilespmem:s4+$0xE0]  }
0x4c: {  	v31 =	vld [tilespmem:s4+$0xFFFFFF00]  }
0x4d: {  	v0 =	vld.idx.msk [tilespmem:v0+s3+$0x0], $0xffff  }
0x4e: {  	v1 =	vld.idx.msk [tilespmem:v1+s3+$0x0], $0xffff  }
0x4f: {  	v2 =	vld.idx.msk [tilespmem:v2+s3+$0x0], $0xffff  }
0x50: {  	v3 =	vld.idx.msk [tilespmem:v3+s3+$0x0], $0xffff  }
0x51: {  	v4 =	vld.idx.msk [tilespmem:v4+s3+$0x0], $0xffff  }
0x52: {  	s31 =	simm.s32 $0x1A7A0;
	v5 =	vld.idx.msk [tilespmem:v5+s3+$0x0], $0xffff  }
0x53: {  	[tilespmem:s31+$0xF0] =	vst v0;
	v0 =	vld.idx.msk [tilespmem:v6+s3+$0x0], $0xffff  }
0x54: {  	[tilespmem:s31+$0xFFFFFF10] =	vst v1;
	v1 =	vld.idx.msk [tilespmem:v7+s3+$0x0], $0xffff  }
0x55: {  	v6 =	vld.idx.msk [tilespmem:v31+s3+$0x0], $0xffff;
	[tilespmem:s31+$0xFFFFFF20] =	vst v2  }
0x56: {  	[tilespmem:s31+$0xFFFFFF30] =	vst v3;
	v2 =	vld.idx.msk [tilespmem:v8+s3+$0x0], $0xffff  }
0x57: {  	[tilespmem:s31+$0xFFFFFF40] =	vst v4;
	v3 =	vld.idx.msk [tilespmem:v9+s3+$0x0], $0xffff  }
0x58: {  	[tilespmem:s31+$0xFFFFFF50] =	vst v5;
	v4 =	vld.idx.msk [tilespmem:v10+s3+$0x0], $0xffff  }
0x59: {  	v5 =	vld.idx.msk [tilespmem:v13+s3+$0x0], $0xffff;
	[tilespmem:s31+$0xFFFFFF60] =	vst v0  }
0x5a: {  	v7 =	vld.idx.msk [tilespmem:v24+s3+$0x0], $0xffff;
	[tilespmem:s31+$0xFFFFFF70] =	vst v1  }
0x5b: {  	v0 =	vld.idx.msk [tilespmem:v11+s3+$0x0], $0xffff;
	[tilespmem:s31+$0xFFFFFF00] =	vst v6  }
0x5c: {  	v1 =	vld.idx.msk [tilespmem:v12+s3+$0x0], $0xffff;
	[tilespmem:s31+$0xFFFFFF80] =	vst v2  }
0x5d: {  	v2 =	vld.idx.msk [tilespmem:v14+s3+$0x0], $0xffff;
	[tilespmem:s31+$0xFFFFFF90] =	vst v3  }
0x5e: {  	v3 =	vld.idx.msk [tilespmem:v15+s3+$0x0], $0xffff;
	[tilespmem:s31+$0xFFFFFFA0] =	vst v4  }
0x5f: {  	v4 =	vld.idx.msk [tilespmem:v16+s3+$0x0], $0xffff;
	[tilespmem:s31+$0xFFFFFFD0] =	vst v5  }
0x60: {  	v5 =	vld.idx.msk [tilespmem:v19+s3+$0x0], $0xffff;
	[tilespmem:s31+$0x80] =	vst v7  }
0x61: {  	v6 =	vld.idx.msk [tilespmem:v23+s3+$0x0], $0xffff;
	[tilespmem:s31+$0xFFFFFFB0] =	vst v0  }
0x62: {  	v0 =	vld.idx.msk [tilespmem:v17+s3+$0x0], $0xffff;
	[tilespmem:s31+$0xFFFFFFC0] =	vst v1  }
0x63: {  	v1 =	vld.idx.msk [tilespmem:v18+s3+$0x0], $0xffff;
	[tilespmem:s31+$0xFFFFFFE0] =	vst v2  }
0x64: {  	v2 =	vld.idx.msk [tilespmem:v20+s3+$0x0], $0xffff;
	[tilespmem:s31+$0xFFFFFFF0] =	vst v3  }
0x65: {  	v3 =	vld.idx.msk [tilespmem:v21+s3+$0x0], $0xffff;
	[tilespmem:s31+$0x0] =	vst v4  }
0x66: {  	v4 =	vld.idx.msk [tilespmem:v22+s3+$0x0], $0xffff;
	[tilespmem:s31+$0x30] =	vst v5  }
0x67: {  	[tilespmem:s31+$0x70] =	vst v6;
	v5 =	vld.idx.msk [tilespmem:v30+s3+$0x0], $0xffff  }
0x68: {  	[tilespmem:s31+$0x10] =	vst v0;
	v0 =	vld.idx.msk [tilespmem:v25+s3+$0x0], $0xffff  }
0x69: {  	[tilespmem:s31+$0x20] =	vst v1;
	v1 =	vld.idx.msk [tilespmem:v26+s3+$0x0], $0xffff  }
0x6a: {  	[tilespmem:s31+$0x40] =	vst v2;
	v2 =	vld.idx.msk [tilespmem:v27+s3+$0x0], $0xffff  }
0x6b: {  	[tilespmem:s31+$0x50] =	vst v3;
	v3 =	vld.idx.msk [tilespmem:v28+s3+$0x0], $0xffff  }
0x6c: {  	s29 =	sshll.u32 s28, $0xF;
	s30 =	simm.s32 $0x0;
	s1 =	simm.s32 $0x189A0;
	[tilespmem:s31+$0x60] =	vst v4;
	v4 =	vld.idx.msk [tilespmem:v29+s3+$0x0], $0xffff  }
.LBB2_3:
0x6d: {  	v6 =	vld [tilespmem:s1+$0xF0];
	s30 =	sadd.s32 $0x200, s30;
	[tilespmem:s31+$0x90] =	vst v0  }
0x6e: {  	v0 =	vld [tilespmem:s1+$0xFFFFFF10];
	p2 =	slt.u32 s30, $0xE00;
	[tilespmem:s31+$0xA0] =	vst v1  }
0x6f: {  	v1 =	vld [tilespmem:s1+$0xFFFFFF20];
	[tilespmem:s31+$0xB0] =	vst v2  }
0x70: {  	v2 =	vld [tilespmem:s1+$0xFFFFFF30];
	[tilespmem:s31+$0xC0] =	vst v3  }
0x71: {  	v3 =	vld [tilespmem:s1+$0xFFFFFF40];
	[tilespmem:s31+$0xD0] =	vst v4  }
0x72: {  	v4 =	vld [tilespmem:s1+$0xFFFFFF50];
	[tilespmem:s31+$0xE0] =	vst v5  }
0x73: {  	v5 =	vld [tilespmem:s1+$0xFFFFFF60]  }
0x74: {  	v7 =	vld [tilespmem:s1+$0xFFFFFF70]  }
0x75: {  	v6 =	vld.idx.msk [tilespmem:v6+s3+$0x0], $0xffff  }
0x76: {  	v8 =	vld [tilespmem:s1+$0xFFFFFF80]  }
0x77: {  	v9 =	vld [tilespmem:s1+$0xFFFFFF90]  }
0x78: {  	v10 =	vld [tilespmem:s1+$0xFFFFFFA0]  }
0x79: {  	v11 =	vld [tilespmem:s1+$0xFFFFFFB0]  }
0x7a: {  	s31 =	sadd.s32 $0x200, s31;
	v12 =	vld [tilespmem:s1+$0xFFFFFFC0]  }
0x7b: {  	v13 =	vld [tilespmem:s1+$0xFFFFFFD0];
	[tilespmem:s31+$0xF0] =	vst v6  }
0x7c: {  	v6 =	vld [tilespmem:s1+$0xFFFFFFE0]  }
0x7d: {  	v14 =	vld [tilespmem:s1+$0xFFFFFFF0]  }
0x7e: {  	v15 =	vld [tilespmem:s1+$0x0]  }
0x7f: {  	v16 =	vld [tilespmem:s1+$0x10]  }
0x80: {  	v17 =	vld [tilespmem:s1+$0x20]  }
0x81: {  	v18 =	vld [tilespmem:s1+$0x30]  }
0x82: {  	v19 =	vld [tilespmem:s1+$0x40]  }
0x83: {  	v20 =	vld [tilespmem:s1+$0x50]  }
0x84: {  	v21 =	vld [tilespmem:s1+$0x60]  }
0x85: {  	v22 =	vld [tilespmem:s1+$0x70]  }
0x86: {  	v23 =	vld [tilespmem:s1+$0x80]  }
0x87: {  	v24 =	vld [tilespmem:s1+$0x90]  }
0x88: {  	v25 =	vld [tilespmem:s1+$0xA0]  }
0x89: {  	v26 =	vld [tilespmem:s1+$0xB0]  }
0x8a: {  	v27 =	vld [tilespmem:s1+$0xC0]  }
0x8b: {  	v28 =	vld [tilespmem:s1+$0xD0]  }
0x8c: {  	v29 =	vld [tilespmem:s1+$0xE0]  }
0x8d: {  	v30 =	vld [tilespmem:s1+$0xFFFFFF00]  }
0x8e: {  	v0 =	vld.idx.msk [tilespmem:v0+s3+$0x0], $0xffff  }
0x8f: {  	v1 =	vld.idx.msk [tilespmem:v1+s3+$0x0], $0xffff  }
0x90: {  	v2 =	vld.idx.msk [tilespmem:v2+s3+$0x0], $0xffff  }
0x91: {  	v3 =	vld.idx.msk [tilespmem:v3+s3+$0x0], $0xffff  }
0x92: {  	v4 =	vld.idx.msk [tilespmem:v4+s3+$0x0], $0xffff  }
0x93: {  	v5 =	vld.idx.msk [tilespmem:v5+s3+$0x0], $0xffff  }
0x94: {  	[tilespmem:s31+$0xFFFFFF10] =	vst v0;
	v0 =	vld.idx.msk [tilespmem:v7+s3+$0x0], $0xffff  }
0x95: {  	v7 =	vld.idx.msk [tilespmem:v30+s3+$0x0], $0xffff;
	[tilespmem:s31+$0xFFFFFF20] =	vst v1  }
0x96: {  	[tilespmem:s31+$0xFFFFFF30] =	vst v2;
	v1 =	vld.idx.msk [tilespmem:v8+s3+$0x0], $0xffff  }
0x97: {  	[tilespmem:s31+$0xFFFFFF40] =	vst v3;
	v2 =	vld.idx.msk [tilespmem:v9+s3+$0x0], $0xffff  }
0x98: {  	[tilespmem:s31+$0xFFFFFF50] =	vst v4;
	v3 =	vld.idx.msk [tilespmem:v10+s3+$0x0], $0xffff  }
0x99: {  	[tilespmem:s31+$0xFFFFFF60] =	vst v5;
	v4 =	vld.idx.msk [tilespmem:v11+s3+$0x0], $0xffff  }
0x9a: {  	[tilespmem:s31+$0xFFFFFF70] =	vst v0;
	v0 =	vld.idx.msk [tilespmem:v12+s3+$0x0], $0xffff  }
0x9b: {  	[tilespmem:s31+$0xFFFFFF00] =	vst v7;
	v5 =	vld.idx.msk [tilespmem:v13+s3+$0x0], $0xffff  }
0x9c: {  	[tilespmem:s31+$0xFFFFFF80] =	vst v1;
	v1 =	vld.idx.msk [tilespmem:v6+s3+$0x0], $0xffff  }
0x9d: {  	[tilespmem:s31+$0xFFFFFF90] =	vst v2;
	v2 =	vld.idx.msk [tilespmem:v14+s3+$0x0], $0xffff  }
0x9e: {  	[tilespmem:s31+$0xFFFFFFA0] =	vst v3;
	v3 =	vld.idx.msk [tilespmem:v15+s3+$0x0], $0xffff  }
0x9f: {  	[tilespmem:s31+$0xFFFFFFB0] =	vst v4;
	v4 =	vld.idx.msk [tilespmem:v16+s3+$0x0], $0xffff  }
0xa0: {  	[tilespmem:s31+$0xFFFFFFC0] =	vst v0;
	v0 =	vld.idx.msk [tilespmem:v17+s3+$0x0], $0xffff  }
0xa1: {  	[tilespmem:s31+$0xFFFFFFD0] =	vst v5;
	v5 =	vld.idx.msk [tilespmem:v18+s3+$0x0], $0xffff  }
0xa2: {  	[tilespmem:s31+$0xFFFFFFE0] =	vst v1;
	v1 =	vld.idx.msk [tilespmem:v19+s3+$0x0], $0xffff  }
0xa3: {  	[tilespmem:s31+$0xFFFFFFF0] =	vst v2;
	v2 =	vld.idx.msk [tilespmem:v20+s3+$0x0], $0xffff  }
0xa4: {  	[tilespmem:s31+$0x0] =	vst v3;
	v3 =	vld.idx.msk [tilespmem:v21+s3+$0x0], $0xffff  }
0xa5: {  	[tilespmem:s31+$0x10] =	vst v4;
	v4 =	vld.idx.msk [tilespmem:v22+s3+$0x0], $0xffff  }
0xa6: {  	[tilespmem:s31+$0x20] =	vst v0;
	v6 =	vld.idx.msk [tilespmem:v23+s3+$0x0], $0xffff  }
0xa7: {  	[tilespmem:s31+$0x30] =	vst v5;
	v0 =	vld.idx.msk [tilespmem:v24+s3+$0x0], $0xffff  }
.Ltmp2:
0xa8: {  	[tilespmem:s31+$0x40] =	vst v1;
	v1 =	vld.idx.msk [tilespmem:v25+s3+$0x0], $0xffff;
	(pc) =	sbr.rel @p2 .LBB2_3-.Ltmp2, $4  }
0xa9: {  	[tilespmem:s31+$0x50] =	vst v2;
	v2 =	vld.idx.msk [tilespmem:v26+s3+$0x0], $0xffff  }
0xaa: {  	[tilespmem:s31+$0x60] =	vst v3;
	v3 =	vld.idx.msk [tilespmem:v27+s3+$0x0], $0xffff  }
0xab: {  	[tilespmem:s31+$0x70] =	vst v4;
	v4 =	vld.idx.msk [tilespmem:v28+s3+$0x0], $0xffff  }
0xac: {  	s1 =	sadd.s32 $0x200, s1;
	[tilespmem:s31+$0x80] =	vst v6;
	v5 =	vld.idx.msk [tilespmem:v29+s3+$0x0], $0xffff  }
0xad: {  	[tilespmem:s31+$0x90] =	vst v0  }
0xae: {  	[tilespmem:s31+$0xA0] =	vst v1;
	p2 =	sne.s32 s28, $0x18  }
.Ltmp3:
0xaf: {  	s1 =	sshll.u32 s28, $0x10;
	[tilespmem:s31+$0xB0] =	vst v2;
	(pc) =	sbr.rel @p2 .LBB2_6-.Ltmp3, $4  }
0xb0: {  	s1 =	sor.u32 s1, s8;
	[tilespmem:s31+$0xC0] =	vst v3  }
0xb1: {  	s30 =	sor.u32 s7, s1;
	[tilespmem:s31+$0xD0] =	vst v4  }
0xb2: {  	s1 =	sadd.s32 s0, s30;
	[tilespmem:s31+$0xE0] =	vst v5  }
0xb3: {  	[hbm4b:s1+s18] =	stream.strided.scatter [tilespmem:s20], [sflag:$0x4], $0x1000, s19, s18, $0x38;
	[tilespmem:$0x1F8A0] =	vst v63  }
.Ltmp4:
0xb4: {  	(pc) =	sbr.rel .LBB2_7-.Ltmp4, $4  }
0xb5: {  	_ = 	snop  }
0xb6: {  	_ =	swait.ge [sflag:s21], $0x1000  }
0xb7: {  	[sflag:s21] =	ssyncset.done $0x0  }
0xb8: {  	[sflag:s21] =	ssyncadd.s32 $0xFFFFF000  }
.LBB2_6:
0xb9: {  	s1 =	sshrl.u32 s29, $0x2  }
0xba: {  	s1 =	sadd.s32 s1, s2  }
.Ltmp5:
0xbb: {  	s1 =	sadd.s32 $0x2000, s1;
	(pc) =	sbr.rel @p1 .LBB2_8-.Ltmp5, $4  }
0xbc: {  	[tilespmem:s15], [sflag:$0x2] =	stream.linear.gather [spmem:s1], $0x1000, $0x38;
	[tilespmem:$0x1F8A0] =	vst v63  }
0xbd: {  	_ =	swait.ge [sflag:s21], $0x1000  }
0xbe: {  	[sflag:s21] =	ssyncset.done $0x0  }
0xbf: {  	[sflag:s21] =	ssyncadd.s32 $0xFFFFF000  }
.LBB2_7:
0xc0: {  	_ =	swait.ge [sflag:s22], $0x1000  }
0xc1: {  	[sflag:s22] =	ssyncset.done $0x0  }
0xc2: {  	[sflag:s22] =	ssyncadd.s32 $0xFFFFF000  }
.LBB2_8:
0xc3: {  	s1 =	simm.s32 $0x197A0  }
0xc4: {  	v0 =	vld [tilespmem:s1+$0xF0]  }
0xc5: {  	v1 =	vld [tilespmem:s1+$0xFFFFFF10]  }
0xc6: {  	v2 =	vld [tilespmem:s1+$0xFFFFFF20]  }
0xc7: {  	v3 =	vld [tilespmem:s1+$0xFFFFFF30]  }
0xc8: {  	v4 =	vld [tilespmem:s1+$0xFFFFFF40]  }
0xc9: {  	v5 =	vld [tilespmem:s1+$0xFFFFFF50]  }
0xca: {  	v6 =	vld [tilespmem:s1+$0xFFFFFF60]  }
0xcb: {  	v7 =	vld [tilespmem:s1+$0xFFFFFF70]  }
0xcc: {  	v8 =	vld [tilespmem:s1+$0xFFFFFF80]  }
0xcd: {  	v9 =	vld [tilespmem:s1+$0xFFFFFF90]  }
0xce: {  	v10 =	vld [tilespmem:s1+$0xFFFFFFA0]  }
0xcf: {  	v11 =	vld [tilespmem:s1+$0xFFFFFFB0]  }
0xd0: {  	v12 =	vld [tilespmem:s1+$0xFFFFFFC0]  }
0xd1: {  	v13 =	vld [tilespmem:s1+$0xFFFFFFD0]  }
0xd2: {  	v14 =	vld [tilespmem:s1+$0xFFFFFFE0]  }
0xd3: {  	v15 =	vld [tilespmem:s1+$0xFFFFFFF0]  }
0xd4: {  	v16 =	vld [tilespmem:s1+$0x0]  }
0xd5: {  	v17 =	vld [tilespmem:s1+$0x10]  }
0xd6: {  	v18 =	vld [tilespmem:s1+$0x20]  }
0xd7: {  	v19 =	vld [tilespmem:s1+$0x30]  }
0xd8: {  	v20 =	vld [tilespmem:s1+$0x40]  }
0xd9: {  	v21 =	vld [tilespmem:s1+$0x50]  }
0xda: {  	v22 =	vld [tilespmem:s1+$0x60]  }
0xdb: {  	v23 =	vld [tilespmem:s1+$0x70]  }
0xdc: {  	v24 =	vld [tilespmem:s1+$0x80]  }
0xdd: {  	v25 =	vld [tilespmem:s1+$0x90]  }
0xde: {  	v26 =	vld [tilespmem:s1+$0xA0]  }
0xdf: {  	v27 =	vld [tilespmem:s1+$0xB0]  }
0xe0: {  	v28 =	vld [tilespmem:s1+$0xC0]  }
0xe1: {  	v29 =	vld [tilespmem:s1+$0xD0]  }
0xe2: {  	v30 =	vld [tilespmem:s1+$0xE0]  }
0xe3: {  	v31 =	vld [tilespmem:s1+$0xFFFFFF00]  }
0xe4: {  	v0 =	vld.idx.msk [tilespmem:v0+s3+$0x0], $0xffff  }
0xe5: {  	v1 =	vld.idx.msk [tilespmem:v1+s3+$0x0], $0xffff  }
0xe6: {  	v2 =	vld.idx.msk [tilespmem:v2+s3+$0x0], $0xffff  }
0xe7: {  	v3 =	vld.idx.msk [tilespmem:v3+s3+$0x0], $0xffff  }
0xe8: {  	v4 =	vld.idx.msk [tilespmem:v4+s3+$0x0], $0xffff  }
0xe9: {  	s31 =	simm.s32 $0x1B7A0;
	v5 =	vld.idx.msk [tilespmem:v5+s3+$0x0], $0xffff  }
0xea: {  	[tilespmem:s31+$0xF0] =	vst v0;
	v0 =	vld.idx.msk [tilespmem:v6+s3+$0x0], $0xffff  }
0xeb: {  	[tilespmem:s31+$0xFFFFFF10] =	vst v1;
	v1 =	vld.idx.msk [tilespmem:v7+s3+$0x0], $0xffff  }
0xec: {  	v6 =	vld.idx.msk [tilespmem:v31+s3+$0x0], $0xffff;
	[tilespmem:s31+$0xFFFFFF20] =	vst v2  }
0xed: {  	[tilespmem:s31+$0xFFFFFF30] =	vst v3;
	v2 =	vld.idx.msk [tilespmem:v8+s3+$0x0], $0xffff  }
0xee: {  	[tilespmem:s31+$0xFFFFFF40] =	vst v4;
	v3 =	vld.idx.msk [tilespmem:v9+s3+$0x0], $0xffff  }
0xef: {  	[tilespmem:s31+$0xFFFFFF50] =	vst v5;
	v4 =	vld.idx.msk [tilespmem:v10+s3+$0x0], $0xffff  }
0xf0: {  	v5 =	vld.idx.msk [tilespmem:v13+s3+$0x0], $0xffff;
	[tilespmem:s31+$0xFFFFFF60] =	vst v0  }
0xf1: {  	v7 =	vld.idx.msk [tilespmem:v24+s3+$0x0], $0xffff;
	[tilespmem:s31+$0xFFFFFF70] =	vst v1  }
0xf2: {  	v0 =	vld.idx.msk [tilespmem:v11+s3+$0x0], $0xffff;
	[tilespmem:s31+$0xFFFFFF00] =	vst v6  }
0xf3: {  	v1 =	vld.idx.msk [tilespmem:v12+s3+$0x0], $0xffff;
	[tilespmem:s31+$0xFFFFFF80] =	vst v2  }
0xf4: {  	v2 =	vld.idx.msk [tilespmem:v14+s3+$0x0], $0xffff;
	[tilespmem:s31+$0xFFFFFF90] =	vst v3  }
0xf5: {  	v3 =	vld.idx.msk [tilespmem:v15+s3+$0x0], $0xffff;
	[tilespmem:s31+$0xFFFFFFA0] =	vst v4  }
0xf6: {  	v4 =	vld.idx.msk [tilespmem:v16+s3+$0x0], $0xffff;
	[tilespmem:s31+$0xFFFFFFD0] =	vst v5  }
0xf7: {  	v5 =	vld.idx.msk [tilespmem:v19+s3+$0x0], $0xffff;
	[tilespmem:s31+$0x80] =	vst v7  }
0xf8: {  	v6 =	vld.idx.msk [tilespmem:v23+s3+$0x0], $0xffff;
	[tilespmem:s31+$0xFFFFFFB0] =	vst v0  }
0xf9: {  	v0 =	vld.idx.msk [tilespmem:v17+s3+$0x0], $0xffff;
	[tilespmem:s31+$0xFFFFFFC0] =	vst v1  }
0xfa: {  	v1 =	vld.idx.msk [tilespmem:v18+s3+$0x0], $0xffff;
	[tilespmem:s31+$0xFFFFFFE0] =	vst v2  }
0xfb: {  	v2 =	vld.idx.msk [tilespmem:v20+s3+$0x0], $0xffff;
	[tilespmem:s31+$0xFFFFFFF0] =	vst v3  }
0xfc: {  	v3 =	vld.idx.msk [tilespmem:v21+s3+$0x0], $0xffff;
	[tilespmem:s31+$0x0] =	vst v4  }
0xfd: {  	v4 =	vld.idx.msk [tilespmem:v22+s3+$0x0], $0xffff;
	[tilespmem:s31+$0x30] =	vst v5  }
0xfe: {  	[tilespmem:s31+$0x70] =	vst v6;
	v5 =	vld.idx.msk [tilespmem:v30+s3+$0x0], $0xffff  }
0xff: {  	[tilespmem:s31+$0x10] =	vst v0;
	v0 =	vld.idx.msk [tilespmem:v25+s3+$0x0], $0xffff  }
0x100: {  	[tilespmem:s31+$0x20] =	vst v1;
	v1 =	vld.idx.msk [tilespmem:v26+s3+$0x0], $0xffff  }
0x101: {  	[tilespmem:s31+$0x40] =	vst v2;
	v2 =	vld.idx.msk [tilespmem:v27+s3+$0x0], $0xffff  }
0x102: {  	[tilespmem:s31+$0x50] =	vst v3;
	v3 =	vld.idx.msk [tilespmem:v28+s3+$0x0], $0xffff  }
0x103: {  	s4 =	simm.s32 $0x199A0;
	s1 =	simm.s32 $0x0;
	[tilespmem:s31+$0x60] =	vst v4;
	v4 =	vld.idx.msk [tilespmem:v29+s3+$0x0], $0xffff  }
.LBB2_9:
0x104: {  	v6 =	vld [tilespmem:s4+$0xF0];
	s1 =	sadd.s32 $0x200, s1;
	[tilespmem:s31+$0x90] =	vst v0  }
0x105: {  	v0 =	vld [tilespmem:s4+$0xFFFFFF10];
	p1 =	slt.u32 s1, $0xE00;
	[tilespmem:s31+$0xA0] =	vst v1  }
0x106: {  	v1 =	vld [tilespmem:s4+$0xFFFFFF20];
	[tilespmem:s31+$0xB0] =	vst v2  }
0x107: {  	v2 =	vld [tilespmem:s4+$0xFFFFFF30];
	[tilespmem:s31+$0xC0] =	vst v3  }
0x108: {  	v3 =	vld [tilespmem:s4+$0xFFFFFF40];
	[tilespmem:s31+$0xD0] =	vst v4  }
0x109: {  	v4 =	vld [tilespmem:s4+$0xFFFFFF50];
	[tilespmem:s31+$0xE0] =	vst v5  }
0x10a: {  	v5 =	vld [tilespmem:s4+$0xFFFFFF60]  }
0x10b: {  	v7 =	vld [tilespmem:s4+$0xFFFFFF70]  }
0x10c: {  	v6 =	vld.idx.msk [tilespmem:v6+s3+$0x0], $0xffff  }
0x10d: {  	v8 =	vld [tilespmem:s4+$0xFFFFFF80]  }
0x10e: {  	v9 =	vld [tilespmem:s4+$0xFFFFFF90]  }
0x10f: {  	v10 =	vld [tilespmem:s4+$0xFFFFFFA0]  }
0x110: {  	v11 =	vld [tilespmem:s4+$0xFFFFFFB0]  }
0x111: {  	s31 =	sadd.s32 $0x200, s31;
	v12 =	vld [tilespmem:s4+$0xFFFFFFC0]  }
0x112: {  	v13 =	vld [tilespmem:s4+$0xFFFFFFD0];
	[tilespmem:s31+$0xF0] =	vst v6  }
0x113: {  	v6 =	vld [tilespmem:s4+$0xFFFFFFE0]  }
0x114: {  	v14 =	vld [tilespmem:s4+$0xFFFFFFF0]  }
0x115: {  	v15 =	vld [tilespmem:s4+$0x0]  }
0x116: {  	v16 =	vld [tilespmem:s4+$0x10]  }
0x117: {  	v17 =	vld [tilespmem:s4+$0x20]  }
0x118: {  	v18 =	vld [tilespmem:s4+$0x30]  }
0x119: {  	v19 =	vld [tilespmem:s4+$0x40]  }
0x11a: {  	v20 =	vld [tilespmem:s4+$0x50]  }
0x11b: {  	v21 =	vld [tilespmem:s4+$0x60]  }
0x11c: {  	v22 =	vld [tilespmem:s4+$0x70]  }
0x11d: {  	v23 =	vld [tilespmem:s4+$0x80]  }
0x11e: {  	v24 =	vld [tilespmem:s4+$0x90]  }
0x11f: {  	v25 =	vld [tilespmem:s4+$0xA0]  }
0x120: {  	v26 =	vld [tilespmem:s4+$0xB0]  }
0x121: {  	v27 =	vld [tilespmem:s4+$0xC0]  }
0x122: {  	v28 =	vld [tilespmem:s4+$0xD0]  }
0x123: {  	v29 =	vld [tilespmem:s4+$0xE0]  }
0x124: {  	v30 =	vld [tilespmem:s4+$0xFFFFFF00]  }
0x125: {  	v0 =	vld.idx.msk [tilespmem:v0+s3+$0x0], $0xffff  }
0x126: {  	v1 =	vld.idx.msk [tilespmem:v1+s3+$0x0], $0xffff  }
0x127: {  	v2 =	vld.idx.msk [tilespmem:v2+s3+$0x0], $0xffff  }
0x128: {  	v3 =	vld.idx.msk [tilespmem:v3+s3+$0x0], $0xffff  }
0x129: {  	v4 =	vld.idx.msk [tilespmem:v4+s3+$0x0], $0xffff  }
0x12a: {  	v5 =	vld.idx.msk [tilespmem:v5+s3+$0x0], $0xffff  }
0x12b: {  	[tilespmem:s31+$0xFFFFFF10] =	vst v0;
	v0 =	vld.idx.msk [tilespmem:v7+s3+$0x0], $0xffff  }
0x12c: {  	v7 =	vld.idx.msk [tilespmem:v30+s3+$0x0], $0xffff;
	[tilespmem:s31+$0xFFFFFF20] =	vst v1  }
0x12d: {  	[tilespmem:s31+$0xFFFFFF30] =	vst v2;
	v1 =	vld.idx.msk [tilespmem:v8+s3+$0x0], $0xffff  }
0x12e: {  	[tilespmem:s31+$0xFFFFFF40] =	vst v3;
	v2 =	vld.idx.msk [tilespmem:v9+s3+$0x0], $0xffff  }
0x12f: {  	[tilespmem:s31+$0xFFFFFF50] =	vst v4;
	v3 =	vld.idx.msk [tilespmem:v10+s3+$0x0], $0xffff  }
0x130: {  	[tilespmem:s31+$0xFFFFFF60] =	vst v5;
	v4 =	vld.idx.msk [tilespmem:v11+s3+$0x0], $0xffff  }
0x131: {  	[tilespmem:s31+$0xFFFFFF70] =	vst v0;
	v0 =	vld.idx.msk [tilespmem:v12+s3+$0x0], $0xffff  }
0x132: {  	[tilespmem:s31+$0xFFFFFF00] =	vst v7;
	v5 =	vld.idx.msk [tilespmem:v13+s3+$0x0], $0xffff  }
0x133: {  	[tilespmem:s31+$0xFFFFFF80] =	vst v1;
	v1 =	vld.idx.msk [tilespmem:v6+s3+$0x0], $0xffff  }
0x134: {  	[tilespmem:s31+$0xFFFFFF90] =	vst v2;
	v2 =	vld.idx.msk [tilespmem:v14+s3+$0x0], $0xffff  }
0x135: {  	[tilespmem:s31+$0xFFFFFFA0] =	vst v3;
	v3 =	vld.idx.msk [tilespmem:v15+s3+$0x0], $0xffff  }
0x136: {  	[tilespmem:s31+$0xFFFFFFB0] =	vst v4;
	v4 =	vld.idx.msk [tilespmem:v16+s3+$0x0], $0xffff  }
0x137: {  	[tilespmem:s31+$0xFFFFFFC0] =	vst v0;
	v0 =	vld.idx.msk [tilespmem:v17+s3+$0x0], $0xffff  }
0x138: {  	[tilespmem:s31+$0xFFFFFFD0] =	vst v5;
	v5 =	vld.idx.msk [tilespmem:v18+s3+$0x0], $0xffff  }
0x139: {  	[tilespmem:s31+$0xFFFFFFE0] =	vst v1;
	v1 =	vld.idx.msk [tilespmem:v19+s3+$0x0], $0xffff  }
0x13a: {  	[tilespmem:s31+$0xFFFFFFF0] =	vst v2;
	v2 =	vld.idx.msk [tilespmem:v20+s3+$0x0], $0xffff  }
0x13b: {  	[tilespmem:s31+$0x0] =	vst v3;
	v3 =	vld.idx.msk [tilespmem:v21+s3+$0x0], $0xffff  }
0x13c: {  	[tilespmem:s31+$0x10] =	vst v4;
	v4 =	vld.idx.msk [tilespmem:v22+s3+$0x0], $0xffff  }
0x13d: {  	[tilespmem:s31+$0x20] =	vst v0;
	v6 =	vld.idx.msk [tilespmem:v23+s3+$0x0], $0xffff  }
0x13e: {  	[tilespmem:s31+$0x30] =	vst v5;
	v0 =	vld.idx.msk [tilespmem:v24+s3+$0x0], $0xffff  }
.Ltmp6:
0x13f: {  	[tilespmem:s31+$0x40] =	vst v1;
	v1 =	vld.idx.msk [tilespmem:v25+s3+$0x0], $0xffff;
	(pc) =	sbr.rel @p1 .LBB2_9-.Ltmp6, $4  }
0x140: {  	[tilespmem:s31+$0x50] =	vst v2;
	v2 =	vld.idx.msk [tilespmem:v26+s3+$0x0], $0xffff  }
0x141: {  	[tilespmem:s31+$0x60] =	vst v3;
	v3 =	vld.idx.msk [tilespmem:v27+s3+$0x0], $0xffff  }
0x142: {  	[tilespmem:s31+$0x70] =	vst v4;
	v4 =	vld.idx.msk [tilespmem:v28+s3+$0x0], $0xffff  }
0x143: {  	s4 =	sadd.s32 $0x200, s4;
	[tilespmem:s31+$0x80] =	vst v6;
	v5 =	vld.idx.msk [tilespmem:v29+s3+$0x0], $0xffff  }
0x144: {  	[tilespmem:s31+$0x90] =	vst v0  }
0x145: {  	[tilespmem:s31+$0xA0] =	vst v1;
	p1 =	seq.s32 s28, $0x18  }
.Ltmp7:
0x146: {  	[tilespmem:s31+$0xB0] =	vst v2;
	(pc) =	sbr.rel @p1 .LBB2_12-.Ltmp7, $4  }
0x147: {  	[tilespmem:s31+$0xC0] =	vst v3  }
0x148: {  	[tilespmem:s31+$0xD0] =	vst v4  }
0x149: {  	s1 =	sadd.s32 s30, s9;
	[tilespmem:s31+$0xE0] =	vst v5  }
0x14a: {  	[hbm4b:s1+s18] =	stream.strided.scatter [tilespmem:s23], [sflag:$0x5], $0x1000, s19, s18, $0x38;
	[tilespmem:$0x1F8A0] =	vst v63  }
.Ltmp8:
0x14b: {  	(pc) =	sbr.rel .LBB2_2-.Ltmp8, $4  }
0x14c: {  	s1 =	sshrl.u32 s29, $0x2  }
0x14d: {  	s1 =	sadd.s32 s1, s2  }
0x14e: {  	s28 =	sadd.s32 $0x1, s28;
	s1 =	sadd.s32 $0x3000, s1  }
0x14f: {  	[tilespmem:s16], [sflag:$0x3] =	stream.linear.gather [spmem:s1], $0x1000, $0x38;
	[tilespmem:$0x1F8A0] =	vst v63  }
.LBB2_12:
0x150: {  	_ =	swait.ge [sflag:s24], $0x1000  }
0x151: {  	[sflag:s24] =	ssyncset.done $0x0  }
0x152: {  	[sflag:s24] =	ssyncadd.s32 $0xFFFFF000  }
0x153: {  	_ =	swait.ge [sflag:s22], $0x1000  }
0x154: {  	[sflag:s22] =	ssyncset.done $0x0  }
0x155: {  	s28 =	simm.s32 $0x0;
	[sflag:s22] =	ssyncadd.s32 $0xFFFFF000  }
0x156: {  	[tilespmem:s28], [sflag:$0x6] =	stream.linear.gather [hbm4b:s10+s28], $0x186A0, $0x38;
	[tilespmem:$0x1F8A0] =	vst v63  }
0x157: {  	_ =	swait.ge [sflag:s25], $0x186A0  }
0x158: {  	[sflag:s25] =	ssyncset.done $0x0  }
0x159: {  	[sflag:s25] =	ssyncadd.s32 $0xFFFE7960  }
0x15a: {  	[tilespmem:s15], [sflag:$0x2] =	stream.linear.gather [spmem:s2], $0x1000, $0x38;
	[tilespmem:$0x1F8A0] =	vst v63  }
0x15b: {  	_ = 	snop  }
0x15c: {  	[tilespmem:s16], [sflag:$0x3] =	stream.linear.gather [spmem:s6], $0x1000, $0x38;
	[tilespmem:$0x1F8A0] =	vst v63  }
.LBB2_13:
0x15d: {  	_ =	swait.ge [sflag:s17], $0x1000  }
0x15e: {  	p1 =	seq.s32 s28, $0x0;
	[sflag:s17] =	ssyncset.done $0x0  }
0x15f: {  	s1 =	simm.s32 @!p1 $0x4;
	[sflag:s17] =	ssyncadd.s32 $0xFFFFF000  }
0x160: {  	_ =	swait.ge @!p1 [sflag:s1], $0x1000  }
0x161: {  	[sflag:s1] =	ssyncset.done @!p1 $0x0  }
0x162: {  	s30 =	simm.s32 $0x187A0;
	[sflag:s1] =	ssyncadd.s32 @!p1 $0xFFFFF000  }
0x163: {  	v0 =	vld [tilespmem:s30+$0xF0]  }
0x164: {  	v1 =	vld [tilespmem:s30+$0xFFFFFF10]  }
0x165: {  	v2 =	vld [tilespmem:s30+$0xFFFFFF20]  }
0x166: {  	v3 =	vld [tilespmem:s30+$0xFFFFFF30]  }
0x167: {  	v4 =	vld [tilespmem:s30+$0xFFFFFF40]  }
0x168: {  	v5 =	vld [tilespmem:s30+$0xFFFFFF50]  }
0x169: {  	v6 =	vld [tilespmem:s30+$0xFFFFFF60]  }
0x16a: {  	v7 =	vld [tilespmem:s30+$0xFFFFFF70]  }
0x16b: {  	v8 =	vld [tilespmem:s30+$0xFFFFFF80]  }
0x16c: {  	v9 =	vld [tilespmem:s30+$0xFFFFFF90]  }
0x16d: {  	v10 =	vld [tilespmem:s30+$0xFFFFFFA0]  }
0x16e: {  	v11 =	vld [tilespmem:s30+$0xFFFFFFB0]  }
0x16f: {  	v12 =	vld [tilespmem:s30+$0xFFFFFFC0]  }
0x170: {  	v13 =	vld [tilespmem:s30+$0xFFFFFFD0]  }
0x171: {  	v14 =	vld [tilespmem:s30+$0xFFFFFFE0]  }
0x172: {  	v15 =	vld [tilespmem:s30+$0xFFFFFFF0]  }
0x173: {  	v16 =	vld [tilespmem:s30+$0x0]  }
0x174: {  	v17 =	vld [tilespmem:s30+$0x10]  }
0x175: {  	v18 =	vld [tilespmem:s30+$0x20]  }
0x176: {  	v19 =	vld [tilespmem:s30+$0x30]  }
0x177: {  	v20 =	vld [tilespmem:s30+$0x40]  }
0x178: {  	v21 =	vld [tilespmem:s30+$0x50]  }
0x179: {  	v22 =	vld [tilespmem:s30+$0x60]  }
0x17a: {  	v23 =	vld [tilespmem:s30+$0x70]  }
0x17b: {  	v24 =	vld [tilespmem:s30+$0x80]  }
0x17c: {  	v25 =	vld [tilespmem:s30+$0x90]  }
0x17d: {  	v26 =	vld [tilespmem:s30+$0xA0]  }
0x17e: {  	v27 =	vld [tilespmem:s30+$0xB0]  }
0x17f: {  	v28 =	vld [tilespmem:s30+$0xC0]  }
0x180: {  	v29 =	vld [tilespmem:s30+$0xD0]  }
0x181: {  	v30 =	vld [tilespmem:s30+$0xE0]  }
0x182: {  	v31 =	vld [tilespmem:s30+$0xFFFFFF00]  }
0x183: {  	v0 =	vld.idx.msk [tilespmem:v0+s3+$0x0], $0xffff  }
0x184: {  	v1 =	vld.idx.msk [tilespmem:v1+s3+$0x0], $0xffff  }
0x185: {  	v2 =	vld.idx.msk [tilespmem:v2+s3+$0x0], $0xffff  }
0x186: {  	v3 =	vld.idx.msk [tilespmem:v3+s3+$0x0], $0xffff  }
0x187: {  	v4 =	vld.idx.msk [tilespmem:v4+s3+$0x0], $0xffff  }
0x188: {  	s31 =	simm.s32 $0x1A7A0;
	v5 =	vld.idx.msk [tilespmem:v5+s3+$0x0], $0xffff  }
0x189: {  	[tilespmem:s31+$0xF0] =	vst v0;
	v0 =	vld.idx.msk [tilespmem:v6+s3+$0x0], $0xffff  }
0x18a: {  	[tilespmem:s31+$0xFFFFFF10] =	vst v1;
	v1 =	vld.idx.msk [tilespmem:v7+s3+$0x0], $0xffff  }
0x18b: {  	v6 =	vld.idx.msk [tilespmem:v31+s3+$0x0], $0xffff;
	[tilespmem:s31+$0xFFFFFF20] =	vst v2  }
0x18c: {  	[tilespmem:s31+$0xFFFFFF30] =	vst v3;
	v2 =	vld.idx.msk [tilespmem:v8+s3+$0x0], $0xffff  }
0x18d: {  	[tilespmem:s31+$0xFFFFFF40] =	vst v4;
	v3 =	vld.idx.msk [tilespmem:v9+s3+$0x0], $0xffff  }
0x18e: {  	[tilespmem:s31+$0xFFFFFF50] =	vst v5;
	v4 =	vld.idx.msk [tilespmem:v10+s3+$0x0], $0xffff  }
0x18f: {  	v5 =	vld.idx.msk [tilespmem:v13+s3+$0x0], $0xffff;
	[tilespmem:s31+$0xFFFFFF60] =	vst v0  }
0x190: {  	v7 =	vld.idx.msk [tilespmem:v24+s3+$0x0], $0xffff;
	[tilespmem:s31+$0xFFFFFF70] =	vst v1  }
0x191: {  	v0 =	vld.idx.msk [tilespmem:v11+s3+$0x0], $0xffff;
	[tilespmem:s31+$0xFFFFFF00] =	vst v6  }
0x192: {  	v1 =	vld.idx.msk [tilespmem:v12+s3+$0x0], $0xffff;
	[tilespmem:s31+$0xFFFFFF80] =	vst v2  }
0x193: {  	v2 =	vld.idx.msk [tilespmem:v14+s3+$0x0], $0xffff;
	[tilespmem:s31+$0xFFFFFF90] =	vst v3  }
0x194: {  	v3 =	vld.idx.msk [tilespmem:v15+s3+$0x0], $0xffff;
	[tilespmem:s31+$0xFFFFFFA0] =	vst v4  }
0x195: {  	v4 =	vld.idx.msk [tilespmem:v16+s3+$0x0], $0xffff;
	[tilespmem:s31+$0xFFFFFFD0] =	vst v5  }
0x196: {  	v5 =	vld.idx.msk [tilespmem:v19+s3+$0x0], $0xffff;
	[tilespmem:s31+$0x80] =	vst v7  }
0x197: {  	v6 =	vld.idx.msk [tilespmem:v23+s3+$0x0], $0xffff;
	[tilespmem:s31+$0xFFFFFFB0] =	vst v0  }
0x198: {  	v0 =	vld.idx.msk [tilespmem:v17+s3+$0x0], $0xffff;
	[tilespmem:s31+$0xFFFFFFC0] =	vst v1  }
0x199: {  	v1 =	vld.idx.msk [tilespmem:v18+s3+$0x0], $0xffff;
	[tilespmem:s31+$0xFFFFFFE0] =	vst v2  }
0x19a: {  	v2 =	vld.idx.msk [tilespmem:v20+s3+$0x0], $0xffff;
	[tilespmem:s31+$0xFFFFFFF0] =	vst v3  }
0x19b: {  	v3 =	vld.idx.msk [tilespmem:v21+s3+$0x0], $0xffff;
	[tilespmem:s31+$0x0] =	vst v4  }
0x19c: {  	v4 =	vld.idx.msk [tilespmem:v22+s3+$0x0], $0xffff;
	[tilespmem:s31+$0x30] =	vst v5  }
0x19d: {  	[tilespmem:s31+$0x70] =	vst v6;
	v5 =	vld.idx.msk [tilespmem:v30+s3+$0x0], $0xffff  }
0x19e: {  	[tilespmem:s31+$0x10] =	vst v0;
	v0 =	vld.idx.msk [tilespmem:v25+s3+$0x0], $0xffff  }
0x19f: {  	[tilespmem:s31+$0x20] =	vst v1;
	v1 =	vld.idx.msk [tilespmem:v26+s3+$0x0], $0xffff  }
0x1a0: {  	[tilespmem:s31+$0x40] =	vst v2;
	v2 =	vld.idx.msk [tilespmem:v27+s3+$0x0], $0xffff  }
0x1a1: {  	[tilespmem:s31+$0x50] =	vst v3;
	v3 =	vld.idx.msk [tilespmem:v28+s3+$0x0], $0xffff  }
0x1a2: {  	s29 =	sshll.u32 s28, $0xF;
	s4 =	simm.s32 $0x189A0;
	s1 =	simm.s32 $0x0;
	[tilespmem:s31+$0x60] =	vst v4;
	v4 =	vld.idx.msk [tilespmem:v29+s3+$0x0], $0xffff  }
.LBB2_14:
0x1a3: {  	v6 =	vld [tilespmem:s4+$0xF0];
	s1 =	sadd.s32 $0x200, s1;
	[tilespmem:s31+$0x90] =	vst v0  }
0x1a4: {  	v0 =	vld [tilespmem:s4+$0xFFFFFF10];
	p2 =	slt.u32 s1, $0xE00;
	[tilespmem:s31+$0xA0] =	vst v1  }
0x1a5: {  	v1 =	vld [tilespmem:s4+$0xFFFFFF20];
	[tilespmem:s31+$0xB0] =	vst v2  }
0x1a6: {  	v2 =	vld [tilespmem:s4+$0xFFFFFF30];
	[tilespmem:s31+$0xC0] =	vst v3  }
0x1a7: {  	v3 =	vld [tilespmem:s4+$0xFFFFFF40];
	[tilespmem:s31+$0xD0] =	vst v4  }
0x1a8: {  	v4 =	vld [tilespmem:s4+$0xFFFFFF50];
	[tilespmem:s31+$0xE0] =	vst v5  }
0x1a9: {  	v5 =	vld [tilespmem:s4+$0xFFFFFF60]  }
0x1aa: {  	v7 =	vld [tilespmem:s4+$0xFFFFFF70]  }
0x1ab: {  	v6 =	vld.idx.msk [tilespmem:v6+s3+$0x0], $0xffff  }
0x1ac: {  	v8 =	vld [tilespmem:s4+$0xFFFFFF80]  }
0x1ad: {  	v9 =	vld [tilespmem:s4+$0xFFFFFF90]  }
0x1ae: {  	v10 =	vld [tilespmem:s4+$0xFFFFFFA0]  }
0x1af: {  	v11 =	vld [tilespmem:s4+$0xFFFFFFB0]  }
0x1b0: {  	s31 =	sadd.s32 $0x200, s31;
	v12 =	vld [tilespmem:s4+$0xFFFFFFC0]  }
0x1b1: {  	v13 =	vld [tilespmem:s4+$0xFFFFFFD0];
	[tilespmem:s31+$0xF0] =	vst v6  }
0x1b2: {  	v6 =	vld [tilespmem:s4+$0xFFFFFFE0]  }
0x1b3: {  	v14 =	vld [tilespmem:s4+$0xFFFFFFF0]  }
0x1b4: {  	v15 =	vld [tilespmem:s4+$0x0]  }
0x1b5: {  	v16 =	vld [tilespmem:s4+$0x10]  }
0x1b6: {  	v17 =	vld [tilespmem:s4+$0x20]  }
0x1b7: {  	v18 =	vld [tilespmem:s4+$0x30]  }
0x1b8: {  	v19 =	vld [tilespmem:s4+$0x40]  }
0x1b9: {  	v20 =	vld [tilespmem:s4+$0x50]  }
0x1ba: {  	v21 =	vld [tilespmem:s4+$0x60]  }
0x1bb: {  	v22 =	vld [tilespmem:s4+$0x70]  }
0x1bc: {  	v23 =	vld [tilespmem:s4+$0x80]  }
0x1bd: {  	v24 =	vld [tilespmem:s4+$0x90]  }
0x1be: {  	v25 =	vld [tilespmem:s4+$0xA0]  }
0x1bf: {  	v26 =	vld [tilespmem:s4+$0xB0]  }
0x1c0: {  	v27 =	vld [tilespmem:s4+$0xC0]  }
0x1c1: {  	v28 =	vld [tilespmem:s4+$0xD0]  }
0x1c2: {  	v29 =	vld [tilespmem:s4+$0xE0]  }
0x1c3: {  	v30 =	vld [tilespmem:s4+$0xFFFFFF00]  }
0x1c4: {  	v0 =	vld.idx.msk [tilespmem:v0+s3+$0x0], $0xffff  }
0x1c5: {  	v1 =	vld.idx.msk [tilespmem:v1+s3+$0x0], $0xffff  }
0x1c6: {  	v2 =	vld.idx.msk [tilespmem:v2+s3+$0x0], $0xffff  }
0x1c7: {  	v3 =	vld.idx.msk [tilespmem:v3+s3+$0x0], $0xffff  }
0x1c8: {  	v4 =	vld.idx.msk [tilespmem:v4+s3+$0x0], $0xffff  }
0x1c9: {  	v5 =	vld.idx.msk [tilespmem:v5+s3+$0x0], $0xffff  }
0x1ca: {  	[tilespmem:s31+$0xFFFFFF10] =	vst v0;
	v0 =	vld.idx.msk [tilespmem:v7+s3+$0x0], $0xffff  }
0x1cb: {  	v7 =	vld.idx.msk [tilespmem:v30+s3+$0x0], $0xffff;
	[tilespmem:s31+$0xFFFFFF20] =	vst v1  }
0x1cc: {  	[tilespmem:s31+$0xFFFFFF30] =	vst v2;
	v1 =	vld.idx.msk [tilespmem:v8+s3+$0x0], $0xffff  }
0x1cd: {  	[tilespmem:s31+$0xFFFFFF40] =	vst v3;
	v2 =	vld.idx.msk [tilespmem:v9+s3+$0x0], $0xffff  }
0x1ce: {  	[tilespmem:s31+$0xFFFFFF50] =	vst v4;
	v3 =	vld.idx.msk [tilespmem:v10+s3+$0x0], $0xffff  }
0x1cf: {  	[tilespmem:s31+$0xFFFFFF60] =	vst v5;
	v4 =	vld.idx.msk [tilespmem:v11+s3+$0x0], $0xffff  }
0x1d0: {  	[tilespmem:s31+$0xFFFFFF70] =	vst v0;
	v0 =	vld.idx.msk [tilespmem:v12+s3+$0x0], $0xffff  }
0x1d1: {  	[tilespmem:s31+$0xFFFFFF00] =	vst v7;
	v5 =	vld.idx.msk [tilespmem:v13+s3+$0x0], $0xffff  }
0x1d2: {  	[tilespmem:s31+$0xFFFFFF80] =	vst v1;
	v1 =	vld.idx.msk [tilespmem:v6+s3+$0x0], $0xffff  }
0x1d3: {  	[tilespmem:s31+$0xFFFFFF90] =	vst v2;
	v2 =	vld.idx.msk [tilespmem:v14+s3+$0x0], $0xffff  }
0x1d4: {  	[tilespmem:s31+$0xFFFFFFA0] =	vst v3;
	v3 =	vld.idx.msk [tilespmem:v15+s3+$0x0], $0xffff  }
0x1d5: {  	[tilespmem:s31+$0xFFFFFFB0] =	vst v4;
	v4 =	vld.idx.msk [tilespmem:v16+s3+$0x0], $0xffff  }
0x1d6: {  	[tilespmem:s31+$0xFFFFFFC0] =	vst v0;
	v0 =	vld.idx.msk [tilespmem:v17+s3+$0x0], $0xffff  }
0x1d7: {  	[tilespmem:s31+$0xFFFFFFD0] =	vst v5;
	v5 =	vld.idx.msk [tilespmem:v18+s3+$0x0], $0xffff  }
0x1d8: {  	[tilespmem:s31+$0xFFFFFFE0] =	vst v1;
	v1 =	vld.idx.msk [tilespmem:v19+s3+$0x0], $0xffff  }
0x1d9: {  	[tilespmem:s31+$0xFFFFFFF0] =	vst v2;
	v2 =	vld.idx.msk [tilespmem:v20+s3+$0x0], $0xffff  }
0x1da: {  	[tilespmem:s31+$0x0] =	vst v3;
	v3 =	vld.idx.msk [tilespmem:v21+s3+$0x0], $0xffff  }
0x1db: {  	[tilespmem:s31+$0x10] =	vst v4;
	v4 =	vld.idx.msk [tilespmem:v22+s3+$0x0], $0xffff  }
0x1dc: {  	[tilespmem:s31+$0x20] =	vst v0;
	v6 =	vld.idx.msk [tilespmem:v23+s3+$0x0], $0xffff  }
0x1dd: {  	[tilespmem:s31+$0x30] =	vst v5;
	v0 =	vld.idx.msk [tilespmem:v24+s3+$0x0], $0xffff  }
.Ltmp9:
0x1de: {  	[tilespmem:s31+$0x40] =	vst v1;
	v1 =	vld.idx.msk [tilespmem:v25+s3+$0x0], $0xffff;
	(pc) =	sbr.rel @p2 .LBB2_14-.Ltmp9, $4  }
0x1df: {  	[tilespmem:s31+$0x50] =	vst v2;
	v2 =	vld.idx.msk [tilespmem:v26+s3+$0x0], $0xffff  }
0x1e0: {  	[tilespmem:s31+$0x60] =	vst v3;
	v3 =	vld.idx.msk [tilespmem:v27+s3+$0x0], $0xffff  }
0x1e1: {  	[tilespmem:s31+$0x70] =	vst v4;
	v4 =	vld.idx.msk [tilespmem:v28+s3+$0x0], $0xffff  }
0x1e2: {  	s4 =	sadd.s32 $0x200, s4;
	[tilespmem:s31+$0x80] =	vst v6;
	v5 =	vld.idx.msk [tilespmem:v29+s3+$0x0], $0xffff  }
0x1e3: {  	[tilespmem:s31+$0x90] =	vst v0  }
0x1e4: {  	[tilespmem:s31+$0xA0] =	vst v1;
	p2 =	sne.s32 s28, $0x18  }
.Ltmp10:
0x1e5: {  	s1 =	sshll.u32 s28, $0x10;
	[tilespmem:s31+$0xB0] =	vst v2;
	(pc) =	sbr.rel @p2 .LBB2_17-.Ltmp10, $4  }
0x1e6: {  	s1 =	sor.u32 s1, s11;
	[tilespmem:s31+$0xC0] =	vst v3  }
0x1e7: {  	s30 =	sor.u32 s7, s1;
	[tilespmem:s31+$0xD0] =	vst v4  }
0x1e8: {  	s1 =	sadd.s32 s0, s30;
	[tilespmem:s31+$0xE0] =	vst v5  }
0x1e9: {  	[hbm4b:s1+s18] =	stream.strided.scatter [tilespmem:s20], [sflag:$0x4], $0x1000, s19, s18, $0x38;
	[tilespmem:$0x1F8A0] =	vst v63  }
.Ltmp11:
0x1ea: {  	(pc) =	sbr.rel .LBB2_18-.Ltmp11, $4  }
0x1eb: {  	_ = 	snop  }
0x1ec: {  	_ =	swait.ge [sflag:s21], $0x1000  }
0x1ed: {  	[sflag:s21] =	ssyncset.done $0x0  }
0x1ee: {  	[sflag:s21] =	ssyncadd.s32 $0xFFFFF000  }
.LBB2_17:
0x1ef: {  	s1 =	sshrl.u32 s29, $0x2  }
0x1f0: {  	s1 =	sadd.s32 s1, s2  }
.Ltmp12:
0x1f1: {  	s1 =	sadd.s32 $0x2000, s1;
	(pc) =	sbr.rel @p1 .LBB2_19-.Ltmp12, $4  }
0x1f2: {  	[tilespmem:s15], [sflag:$0x2] =	stream.linear.gather [spmem:s1], $0x1000, $0x38;
	[tilespmem:$0x1F8A0] =	vst v63  }
0x1f3: {  	_ =	swait.ge [sflag:s21], $0x1000  }
0x1f4: {  	[sflag:s21] =	ssyncset.done $0x0  }
0x1f5: {  	[sflag:s21] =	ssyncadd.s32 $0xFFFFF000  }
.LBB2_18:
0x1f6: {  	_ =	swait.ge [sflag:s22], $0x1000  }
0x1f7: {  	[sflag:s22] =	ssyncset.done $0x0  }
0x1f8: {  	[sflag:s22] =	ssyncadd.s32 $0xFFFFF000  }
.LBB2_19:
0x1f9: {  	s1 =	simm.s32 $0x197A0  }
0x1fa: {  	v0 =	vld [tilespmem:s1+$0xF0]  }
0x1fb: {  	v1 =	vld [tilespmem:s1+$0xFFFFFF10]  }
0x1fc: {  	v2 =	vld [tilespmem:s1+$0xFFFFFF20]  }
0x1fd: {  	v3 =	vld [tilespmem:s1+$0xFFFFFF30]  }
0x1fe: {  	v4 =	vld [tilespmem:s1+$0xFFFFFF40]  }
0x1ff: {  	v5 =	vld [tilespmem:s1+$0xFFFFFF50]  }
0x200: {  	v6 =	vld [tilespmem:s1+$0xFFFFFF60]  }
0x201: {  	v7 =	vld [tilespmem:s1+$0xFFFFFF70]  }
0x202: {  	v8 =	vld [tilespmem:s1+$0xFFFFFF80]  }
0x203: {  	v9 =	vld [tilespmem:s1+$0xFFFFFF90]  }
0x204: {  	v10 =	vld [tilespmem:s1+$0xFFFFFFA0]  }
0x205: {  	v11 =	vld [tilespmem:s1+$0xFFFFFFB0]  }
0x206: {  	v12 =	vld [tilespmem:s1+$0xFFFFFFC0]  }
0x207: {  	v13 =	vld [tilespmem:s1+$0xFFFFFFD0]  }
0x208: {  	v14 =	vld [tilespmem:s1+$0xFFFFFFE0]  }
0x209: {  	v15 =	vld [tilespmem:s1+$0xFFFFFFF0]  }
0x20a: {  	v16 =	vld [tilespmem:s1+$0x0]  }
0x20b: {  	v17 =	vld [tilespmem:s1+$0x10]  }
0x20c: {  	v18 =	vld [tilespmem:s1+$0x20]  }
0x20d: {  	v19 =	vld [tilespmem:s1+$0x30]  }
0x20e: {  	v20 =	vld [tilespmem:s1+$0x40]  }
0x20f: {  	v21 =	vld [tilespmem:s1+$0x50]  }
0x210: {  	v22 =	vld [tilespmem:s1+$0x60]  }
0x211: {  	v23 =	vld [tilespmem:s1+$0x70]  }
0x212: {  	v24 =	vld [tilespmem:s1+$0x80]  }
0x213: {  	v25 =	vld [tilespmem:s1+$0x90]  }
0x214: {  	v26 =	vld [tilespmem:s1+$0xA0]  }
0x215: {  	v27 =	vld [tilespmem:s1+$0xB0]  }
0x216: {  	v28 =	vld [tilespmem:s1+$0xC0]  }
0x217: {  	v29 =	vld [tilespmem:s1+$0xD0]  }
0x218: {  	v30 =	vld [tilespmem:s1+$0xE0]  }
0x219: {  	v31 =	vld [tilespmem:s1+$0xFFFFFF00]  }
0x21a: {  	v0 =	vld.idx.msk [tilespmem:v0+s3+$0x0], $0xffff  }
0x21b: {  	v1 =	vld.idx.msk [tilespmem:v1+s3+$0x0], $0xffff  }
0x21c: {  	v2 =	vld.idx.msk [tilespmem:v2+s3+$0x0], $0xffff  }
0x21d: {  	v3 =	vld.idx.msk [tilespmem:v3+s3+$0x0], $0xffff  }
0x21e: {  	v4 =	vld.idx.msk [tilespmem:v4+s3+$0x0], $0xffff  }
0x21f: {  	s31 =	simm.s32 $0x1B7A0;
	v5 =	vld.idx.msk [tilespmem:v5+s3+$0x0], $0xffff  }
0x220: {  	[tilespmem:s31+$0xF0] =	vst v0;
	v0 =	vld.idx.msk [tilespmem:v6+s3+$0x0], $0xffff  }
0x221: {  	[tilespmem:s31+$0xFFFFFF10] =	vst v1;
	v1 =	vld.idx.msk [tilespmem:v7+s3+$0x0], $0xffff  }
0x222: {  	v6 =	vld.idx.msk [tilespmem:v31+s3+$0x0], $0xffff;
	[tilespmem:s31+$0xFFFFFF20] =	vst v2  }
0x223: {  	[tilespmem:s31+$0xFFFFFF30] =	vst v3;
	v2 =	vld.idx.msk [tilespmem:v8+s3+$0x0], $0xffff  }
0x224: {  	[tilespmem:s31+$0xFFFFFF40] =	vst v4;
	v3 =	vld.idx.msk [tilespmem:v9+s3+$0x0], $0xffff  }
0x225: {  	[tilespmem:s31+$0xFFFFFF50] =	vst v5;
	v4 =	vld.idx.msk [tilespmem:v10+s3+$0x0], $0xffff  }
0x226: {  	v5 =	vld.idx.msk [tilespmem:v13+s3+$0x0], $0xffff;
	[tilespmem:s31+$0xFFFFFF60] =	vst v0  }
0x227: {  	v7 =	vld.idx.msk [tilespmem:v24+s3+$0x0], $0xffff;
	[tilespmem:s31+$0xFFFFFF70] =	vst v1  }
0x228: {  	v0 =	vld.idx.msk [tilespmem:v11+s3+$0x0], $0xffff;
	[tilespmem:s31+$0xFFFFFF00] =	vst v6  }
0x229: {  	v1 =	vld.idx.msk [tilespmem:v12+s3+$0x0], $0xffff;
	[tilespmem:s31+$0xFFFFFF80] =	vst v2  }
0x22a: {  	v2 =	vld.idx.msk [tilespmem:v14+s3+$0x0], $0xffff;
	[tilespmem:s31+$0xFFFFFF90] =	vst v3  }
0x22b: {  	v3 =	vld.idx.msk [tilespmem:v15+s3+$0x0], $0xffff;
	[tilespmem:s31+$0xFFFFFFA0] =	vst v4  }
0x22c: {  	v4 =	vld.idx.msk [tilespmem:v16+s3+$0x0], $0xffff;
	[tilespmem:s31+$0xFFFFFFD0] =	vst v5  }
0x22d: {  	v5 =	vld.idx.msk [tilespmem:v19+s3+$0x0], $0xffff;
	[tilespmem:s31+$0x80] =	vst v7  }
0x22e: {  	v6 =	vld.idx.msk [tilespmem:v23+s3+$0x0], $0xffff;
	[tilespmem:s31+$0xFFFFFFB0] =	vst v0  }
0x22f: {  	v0 =	vld.idx.msk [tilespmem:v17+s3+$0x0], $0xffff;
	[tilespmem:s31+$0xFFFFFFC0] =	vst v1  }
0x230: {  	v1 =	vld.idx.msk [tilespmem:v18+s3+$0x0], $0xffff;
	[tilespmem:s31+$0xFFFFFFE0] =	vst v2  }
0x231: {  	v2 =	vld.idx.msk [tilespmem:v20+s3+$0x0], $0xffff;
	[tilespmem:s31+$0xFFFFFFF0] =	vst v3  }
0x232: {  	v3 =	vld.idx.msk [tilespmem:v21+s3+$0x0], $0xffff;
	[tilespmem:s31+$0x0] =	vst v4  }
0x233: {  	v4 =	vld.idx.msk [tilespmem:v22+s3+$0x0], $0xffff;
	[tilespmem:s31+$0x30] =	vst v5  }
0x234: {  	[tilespmem:s31+$0x70] =	vst v6;
	v5 =	vld.idx.msk [tilespmem:v30+s3+$0x0], $0xffff  }
0x235: {  	[tilespmem:s31+$0x10] =	vst v0;
	v0 =	vld.idx.msk [tilespmem:v25+s3+$0x0], $0xffff  }
0x236: {  	[tilespmem:s31+$0x20] =	vst v1;
	v1 =	vld.idx.msk [tilespmem:v26+s3+$0x0], $0xffff  }
0x237: {  	[tilespmem:s31+$0x40] =	vst v2;
	v2 =	vld.idx.msk [tilespmem:v27+s3+$0x0], $0xffff  }
0x238: {  	[tilespmem:s31+$0x50] =	vst v3;
	v3 =	vld.idx.msk [tilespmem:v28+s3+$0x0], $0xffff  }
0x239: {  	s4 =	simm.s32 $0x199A0;
	s1 =	simm.s32 $0x0;
	[tilespmem:s31+$0x60] =	vst v4;
	v4 =	vld.idx.msk [tilespmem:v29+s3+$0x0], $0xffff  }
.LBB2_20:
0x23a: {  	v6 =	vld [tilespmem:s4+$0xF0];
	s1 =	sadd.s32 $0x200, s1;
	[tilespmem:s31+$0x90] =	vst v0  }
0x23b: {  	v0 =	vld [tilespmem:s4+$0xFFFFFF10];
	p1 =	slt.u32 s1, $0xE00;
	[tilespmem:s31+$0xA0] =	vst v1  }
0x23c: {  	v1 =	vld [tilespmem:s4+$0xFFFFFF20];
	[tilespmem:s31+$0xB0] =	vst v2  }
0x23d: {  	v2 =	vld [tilespmem:s4+$0xFFFFFF30];
	[tilespmem:s31+$0xC0] =	vst v3  }
0x23e: {  	v3 =	vld [tilespmem:s4+$0xFFFFFF40];
	[tilespmem:s31+$0xD0] =	vst v4  }
0x23f: {  	v4 =	vld [tilespmem:s4+$0xFFFFFF50];
	[tilespmem:s31+$0xE0] =	vst v5  }
0x240: {  	v5 =	vld [tilespmem:s4+$0xFFFFFF60]  }
0x241: {  	v7 =	vld [tilespmem:s4+$0xFFFFFF70]  }
0x242: {  	v6 =	vld.idx.msk [tilespmem:v6+s3+$0x0], $0xffff  }
0x243: {  	v8 =	vld [tilespmem:s4+$0xFFFFFF80]  }
0x244: {  	v9 =	vld [tilespmem:s4+$0xFFFFFF90]  }
0x245: {  	v10 =	vld [tilespmem:s4+$0xFFFFFFA0]  }
0x246: {  	v11 =	vld [tilespmem:s4+$0xFFFFFFB0]  }
0x247: {  	s31 =	sadd.s32 $0x200, s31;
	v12 =	vld [tilespmem:s4+$0xFFFFFFC0]  }
0x248: {  	v13 =	vld [tilespmem:s4+$0xFFFFFFD0];
	[tilespmem:s31+$0xF0] =	vst v6  }
0x249: {  	v6 =	vld [tilespmem:s4+$0xFFFFFFE0]  }
0x24a: {  	v14 =	vld [tilespmem:s4+$0xFFFFFFF0]  }
0x24b: {  	v15 =	vld [tilespmem:s4+$0x0]  }
0x24c: {  	v16 =	vld [tilespmem:s4+$0x10]  }
0x24d: {  	v17 =	vld [tilespmem:s4+$0x20]  }
0x24e: {  	v18 =	vld [tilespmem:s4+$0x30]  }
0x24f: {  	v19 =	vld [tilespmem:s4+$0x40]  }
0x250: {  	v20 =	vld [tilespmem:s4+$0x50]  }
0x251: {  	v21 =	vld [tilespmem:s4+$0x60]  }
0x252: {  	v22 =	vld [tilespmem:s4+$0x70]  }
0x253: {  	v23 =	vld [tilespmem:s4+$0x80]  }
0x254: {  	v24 =	vld [tilespmem:s4+$0x90]  }
0x255: {  	v25 =	vld [tilespmem:s4+$0xA0]  }
0x256: {  	v26 =	vld [tilespmem:s4+$0xB0]  }
0x257: {  	v27 =	vld [tilespmem:s4+$0xC0]  }
0x258: {  	v28 =	vld [tilespmem:s4+$0xD0]  }
0x259: {  	v29 =	vld [tilespmem:s4+$0xE0]  }
0x25a: {  	v30 =	vld [tilespmem:s4+$0xFFFFFF00]  }
0x25b: {  	v0 =	vld.idx.msk [tilespmem:v0+s3+$0x0], $0xffff  }
0x25c: {  	v1 =	vld.idx.msk [tilespmem:v1+s3+$0x0], $0xffff  }
0x25d: {  	v2 =	vld.idx.msk [tilespmem:v2+s3+$0x0], $0xffff  }
0x25e: {  	v3 =	vld.idx.msk [tilespmem:v3+s3+$0x0], $0xffff  }
0x25f: {  	v4 =	vld.idx.msk [tilespmem:v4+s3+$0x0], $0xffff  }
0x260: {  	v5 =	vld.idx.msk [tilespmem:v5+s3+$0x0], $0xffff  }
0x261: {  	[tilespmem:s31+$0xFFFFFF10] =	vst v0;
	v0 =	vld.idx.msk [tilespmem:v7+s3+$0x0], $0xffff  }
0x262: {  	v7 =	vld.idx.msk [tilespmem:v30+s3+$0x0], $0xffff;
	[tilespmem:s31+$0xFFFFFF20] =	vst v1  }
0x263: {  	[tilespmem:s31+$0xFFFFFF30] =	vst v2;
	v1 =	vld.idx.msk [tilespmem:v8+s3+$0x0], $0xffff  }
0x264: {  	[tilespmem:s31+$0xFFFFFF40] =	vst v3;
	v2 =	vld.idx.msk [tilespmem:v9+s3+$0x0], $0xffff  }
0x265: {  	[tilespmem:s31+$0xFFFFFF50] =	vst v4;
	v3 =	vld.idx.msk [tilespmem:v10+s3+$0x0], $0xffff  }
0x266: {  	[tilespmem:s31+$0xFFFFFF60] =	vst v5;
	v4 =	vld.idx.msk [tilespmem:v11+s3+$0x0], $0xffff  }
0x267: {  	[tilespmem:s31+$0xFFFFFF70] =	vst v0;
	v0 =	vld.idx.msk [tilespmem:v12+s3+$0x0], $0xffff  }
0x268: {  	[tilespmem:s31+$0xFFFFFF00] =	vst v7;
	v5 =	vld.idx.msk [tilespmem:v13+s3+$0x0], $0xffff  }
0x269: {  	[tilespmem:s31+$0xFFFFFF80] =	vst v1;
	v1 =	vld.idx.msk [tilespmem:v6+s3+$0x0], $0xffff  }
0x26a: {  	[tilespmem:s31+$0xFFFFFF90] =	vst v2;
	v2 =	vld.idx.msk [tilespmem:v14+s3+$0x0], $0xffff  }
0x26b: {  	[tilespmem:s31+$0xFFFFFFA0] =	vst v3;
	v3 =	vld.idx.msk [tilespmem:v15+s3+$0x0], $0xffff  }
0x26c: {  	[tilespmem:s31+$0xFFFFFFB0] =	vst v4;
	v4 =	vld.idx.msk [tilespmem:v16+s3+$0x0], $0xffff  }
0x26d: {  	[tilespmem:s31+$0xFFFFFFC0] =	vst v0;
	v0 =	vld.idx.msk [tilespmem:v17+s3+$0x0], $0xffff  }
0x26e: {  	[tilespmem:s31+$0xFFFFFFD0] =	vst v5;
	v5 =	vld.idx.msk [tilespmem:v18+s3+$0x0], $0xffff  }
0x26f: {  	[tilespmem:s31+$0xFFFFFFE0] =	vst v1;
	v1 =	vld.idx.msk [tilespmem:v19+s3+$0x0], $0xffff  }
0x270: {  	[tilespmem:s31+$0xFFFFFFF0] =	vst v2;
	v2 =	vld.idx.msk [tilespmem:v20+s3+$0x0], $0xffff  }
0x271: {  	[tilespmem:s31+$0x0] =	vst v3;
	v3 =	vld.idx.msk [tilespmem:v21+s3+$0x0], $0xffff  }
0x272: {  	[tilespmem:s31+$0x10] =	vst v4;
	v4 =	vld.idx.msk [tilespmem:v22+s3+$0x0], $0xffff  }
0x273: {  	[tilespmem:s31+$0x20] =	vst v0;
	v6 =	vld.idx.msk [tilespmem:v23+s3+$0x0], $0xffff  }
0x274: {  	[tilespmem:s31+$0x30] =	vst v5;
	v0 =	vld.idx.msk [tilespmem:v24+s3+$0x0], $0xffff  }
.Ltmp13:
0x275: {  	[tilespmem:s31+$0x40] =	vst v1;
	v1 =	vld.idx.msk [tilespmem:v25+s3+$0x0], $0xffff;
	(pc) =	sbr.rel @p1 .LBB2_20-.Ltmp13, $4  }
0x276: {  	[tilespmem:s31+$0x50] =	vst v2;
	v2 =	vld.idx.msk [tilespmem:v26+s3+$0x0], $0xffff  }
0x277: {  	[tilespmem:s31+$0x60] =	vst v3;
	v3 =	vld.idx.msk [tilespmem:v27+s3+$0x0], $0xffff  }
0x278: {  	[tilespmem:s31+$0x70] =	vst v4;
	v4 =	vld.idx.msk [tilespmem:v28+s3+$0x0], $0xffff  }
0x279: {  	s4 =	sadd.s32 $0x200, s4;
	[tilespmem:s31+$0x80] =	vst v6;
	v5 =	vld.idx.msk [tilespmem:v29+s3+$0x0], $0xffff  }
0x27a: {  	[tilespmem:s31+$0x90] =	vst v0  }
0x27b: {  	[tilespmem:s31+$0xA0] =	vst v1;
	p1 =	seq.s32 s28, $0x18  }
.Ltmp14:
0x27c: {  	[tilespmem:s31+$0xB0] =	vst v2;
	(pc) =	sbr.rel @p1 .LBB2_23-.Ltmp14, $4  }
0x27d: {  	[tilespmem:s31+$0xC0] =	vst v3  }
0x27e: {  	[tilespmem:s31+$0xD0] =	vst v4  }
0x27f: {  	s1 =	sadd.s32 s30, s9;
	[tilespmem:s31+$0xE0] =	vst v5  }
0x280: {  	[hbm4b:s1+s18] =	stream.strided.scatter [tilespmem:s23], [sflag:$0x5], $0x1000, s19, s18, $0x38;
	[tilespmem:$0x1F8A0] =	vst v63  }
.Ltmp15:
0x281: {  	(pc) =	sbr.rel .LBB2_13-.Ltmp15, $4  }
0x282: {  	s1 =	sshrl.u32 s29, $0x2  }
0x283: {  	s1 =	sadd.s32 s1, s2  }
0x284: {  	s28 =	sadd.s32 $0x1, s28;
	s1 =	sadd.s32 $0x3000, s1  }
0x285: {  	[tilespmem:s16], [sflag:$0x3] =	stream.linear.gather [spmem:s1], $0x1000, $0x38;
	[tilespmem:$0x1F8A0] =	vst v63  }
.LBB2_24:
0x286: {  	_ =	sfence.sel $0x180000  }
0x287: {  	[bflag:$0x0] =	sbarrier.arrive $0xFFFF  }
0x288: {  	_ =	strace $0x90000047  }
0x289: {  	[bflag:$0x2] =	sbarrier.arrive $0xFFFF  }
0x28a: {  	s0 =	rddreg [dreg:$0x3]  }
0x28b: {  	s0 =	sadd.s32 @!p0 $0x100000, s0  }
0x28c: {  	[sflag:s0] =	ssyncadd.tile.s32 @!p0 $0x1;
	_ =	shalt  }
.Lfunc_end2:
_tile_overlayer_lowered:
.L_overlay_start_2:
0x28d: {  	(tag) =	ssettag $0x2  }
0x28e: {  	s0 =	rddreg [dreg:$0x0];
	s2 =	stileid.u32  }
0x28f: {  	s1 =	rddreg [dreg:$0x1];
	p0 =	sne.s32 s2, $0x0  }
0x290: {  	s3 =	rddreg [dreg:$0x2];
	[bflag:$0x3] =	sbarrier.arrive $0xFFFF;
	s2 =	simm.s32 @!p0 $0x1C06  }
0x291: {  	[timem:s3], [sflag:s2] =	dma.local @!p0 [hbm:s0], s1  }
0x292: {  	s0 =	simm.s32 @!p0 $0x6  }
0x293: {  	_ =	swait.ge @!p0 [sflag:s0], s1  }
0x294: {  	s1 =	ssub.s32 @!p0 $0x0, s1;
	[sflag:s0] =	ssyncset.done @!p0 $0x0  }
0x295: {  	[sflag:s0] =	ssyncadd.s32 @!p0 s1  }
0x296: {  	[bflag:$0x3] =	sbarrier.arrive $0xFFFF  }
0x297: {  	_ =	shalt  }

</sc_bundles>
